<compile_context>
chip_gen: v7x
topology: tpu7x:2x2x1
jax: 0.10.2.dev20260603
libtpu: 0.0.44.dev20260713+nightly
codegen_flags: <defaults>
</compile_context>

<pallas_src>
import jax
import jax.numpy as jnp
from jax import lax
from jax.experimental import pallas as pl
from jax.experimental.pallas import tpu as pltpu
from jax.experimental.pallas import tpu_sc as plsc

N_E = 1024
E_DIM = 64
LEGACY_CLUSTER = 0.2
LEGACY_ENERGY = 0.2
B = 16
T = 576
N_COLS = N_E + 1
N_PAD = 1152
ROW_BLK = 128
N_ROWS = B * T
GRID = N_ROWS // ROW_BLK

WIN_W = 768
WIN_C0_MAX = N_PAD - WIN_W
SEG = 144
SEG_STAGE = 152

N_WORKERS = 32
ROWS_PER_W = N_ROWS // N_WORKERS


def _dist_kernel(ks_ref, emb_ref, d_ref, amin_ref):
    ks = ks_ref[...]
    emb = emb_ref[...]
    rq = jnp.sum(ks * ks, axis=1, keepdims=True)
    ebs = jnp.sum(emb * emb, axis=1)
    col = jax.lax.broadcasted_iota(jnp.int32, (ROW_BLK, N_PAD), 1)
    ebs = jnp.where(col[0:1, :] >= N_COLS, jnp.inf, ebs[None, :])
    m = jax.lax.dot_general(ks, emb, (((1,), (1,)), ((), ())),
                            preferred_element_type=jnp.float32)
    d = (rq + ebs) - 2.0 * m
    d_ref[...] = d
    minv = jnp.min(d, axis=1, keepdims=True)
    idx = jnp.where(d == minv, col, jnp.int32(2 ** 30))
    amin_ref[...] = jnp.min(idx, axis=1).reshape(1, 1, ROW_BLK)


def _scan_body(d_hbm, ind0_hbm, enc_hbm, win, encbuf, ind0buf):
    c = lax.axis_index("c")
    s = lax.axis_index("s")
    lane = jax.lax.broadcasted_iota(jnp.int32, (16,), 0)

    @pl.when(s < 8)
    def _():
        b = s * 2 + c
        pltpu.sync_copy(ind0_hbm.at[pl.ds(b * 16, 16)], ind0buf)
        ind0 = ind0buf[...][0]
        c0 = jnp.minimum((ind0 // 128) * 128, WIN_C0_MAX)
        p0 = ind0
        acc0 = jnp.where(lane == 0, jnp.full((16,), p0, jnp.int32),
                         jnp.zeros((16,), jnp.int32))

        def run_seg(carry, stage0, nstage, t0, nsteps):
            pltpu.sync_copy(
                d_hbm.at[pl.ds(b * T + stage0, nstage), pl.ds(c0, WIN_W)],
                win.at[pl.ds(0, nstage), :])
            off = t0 - stage0

            def step(i, carry):
                p, acc = carry
                e = t0 + i
                row = off + i
                pc = p - c0
                base = (pc // 16) * 16
                r = pc - base
                v0 = win[row, pl.ds(base, 16)]
                v1 = win[row, pl.ds(base + 16, 16)]
                at_end = r == 15
                vsel = jnp.where(jnp.full((16,), at_end), v1, v0)
                cmplane = jnp.where(at_end, 0, r + 1)
                zero = jnp.zeros((16,), jnp.float32)
                z = jnp.where(lane == r, v0, zero) - \
                    jnp.where(lane == cmplane, vsel, zero)
                pn = jnp.minimum(p + 1, N_E - 1)
                p_new = jnp.where(jnp.sum(z) > 0.0, pn, p)
                acc = jnp.where(lane == e % 16,
                                jnp.full((16,), p_new, jnp.int32), acc)

                @pl.when(e % 16 == 15)
                def _():
                    encbuf[pl.ds(e - 15, 16)] = acc

                return (p_new, acc)

            return lax.fori_loop(0, nsteps, step, carry)

        carry = (p0, acc0)
        carry = run_seg(carry, 0, SEG_STAGE, 1, SEG)
        carry = run_seg(carry, SEG, SEG_STAGE, 1 + SEG, SEG)
        carry = run_seg(carry, 2 * SEG, SEG_STAGE, 1 + 2 * SEG, SEG)
        carry = run_seg(carry, 3 * SEG, SEG, 1 + 3 * SEG, T - 1 - 3 * SEG)
        pltpu.sync_copy(encbuf, enc_hbm.at[pl.ds(b * T, T)])


def _gather_body(emb_hbm, enc_hbm, encp1_hbm, amin_hbm, kh_hbm, khn_hbm,
                 km_hbm, idxbuf, rows, sem):
    c = lax.axis_index("c")
    s = lax.axis_index("s")
    w = s * 2 + c
    base = w * ROWS_PER_W
    for src, dst in ((enc_hbm, kh_hbm), (encp1_hbm, khn_hbm),
                     (amin_hbm, km_hbm)):
        pltpu.sync_copy(src.at[pl.ds(base, ROWS_PER_W)], idxbuf)
        pltpu.async_copy(emb_hbm.at[idxbuf], rows, sem).wait()
        pltpu.sync_copy(rows, dst.at[pl.ds(base, ROWS_PER_W)])


@jax.jit
def _pallas_pipeline(ksf, emb_pad, emb128):
    d, amin = pl.pallas_call(
        _dist_kernel,
        grid=(GRID,),
        in_specs=[
            pl.BlockSpec((ROW_BLK, E_DIM), lambda i: (i, 0)),
            pl.BlockSpec((N_PAD, E_DIM), lambda i: (0, 0)),
        ],
        out_specs=[
            pl.BlockSpec((ROW_BLK, N_PAD), lambda i: (i, 0)),
            pl.BlockSpec((1, 1, ROW_BLK), lambda i: (i, 0, 0)),
        ],
        out_shape=[
            jax.ShapeDtypeStruct((N_ROWS, N_PAD), jnp.float32),
            jax.ShapeDtypeStruct((GRID, 1, ROW_BLK), jnp.int32),
        ],
    )(ksf, emb_pad)
    amin = amin.reshape(N_ROWS)

    ind0 = jnp.clip(amin.reshape(B, T)[:, 0], 0, N_E - 1)
    ind0_rep = jnp.repeat(ind0, 16)

    mesh = plsc.VectorSubcoreMesh(core_axis_name="c", subcore_axis_name="s")
    sc_params = pltpu.CompilerParams(needs_layout_passes=False)
    scan_call = pl.kernel(
        _scan_body, mesh=mesh, compiler_params=sc_params,
        out_type=jax.ShapeDtypeStruct((N_ROWS,), jnp.int32),
        scratch_types=[
            pltpu.VMEM((SEG_STAGE, WIN_W), jnp.float32),
            pltpu.VMEM((T,), jnp.int32),
            pltpu.VMEM((16,), jnp.int32),
        ],
    )
    enc_flat = scan_call(d, ind0_rep)

    encp1 = enc_flat + 1
    gather_call = pl.kernel(
        _gather_body, mesh=mesh, compiler_params=sc_params,
        out_type=[jax.ShapeDtypeStruct((N_ROWS, 128), jnp.float32)] * 3,
        scratch_types=[
            pltpu.VMEM((ROWS_PER_W,), jnp.int32),
            pltpu.VMEM((ROWS_PER_W, 128), jnp.float32),
            pltpu.SemaphoreType.DMA,
        ],
    )
    kh, khn, km = gather_call(emb128, enc_flat, encp1, amin)
    return enc_flat, kh, khn, km


def kernel(key_soft, emb_weight):
    sg = jax.lax.stop_gradient
    ksf = key_soft.reshape(-1, E_DIM)
    emb_pad = jnp.pad(emb_weight, ((0, N_PAD - N_COLS), (0, 0)))
    emb128 = jnp.pad(emb_weight, ((0, 0), (0, 128 - E_DIM)))
    enc_flat, kh, khn, km = _pallas_pipeline(ksf, emb_pad, emb128)
    kh, khn, km = kh[:, :E_DIM], khn[:, :E_DIM], km[:, :E_DIM]

    encoding_indices = enc_flat.reshape(B, T)
    key_hard_here = kh.reshape(key_soft.shape)
    key_hard_next = khn.reshape(key_soft.shape)
    key_min = km.reshape(key_soft.shape)
    key_em_here = jnp.sum((sg(key_soft) - key_hard_here) ** 2, axis=-1) + \
        jnp.sum((key_soft - sg(key_hard_here)) ** 2, axis=-1) * LEGACY_ENERGY
    key_em_next = jnp.sum((sg(key_soft) - key_hard_next) ** 2, axis=-1) + \
        jnp.sum((key_soft - sg(key_hard_next)) ** 2, axis=-1) * LEGACY_ENERGY
    key_energy_mat = key_em_next - key_em_here
    indices_change = (encoding_indices[:, 1:] - encoding_indices[:, :-1]).astype(bool)
    key_energy_change = key_energy_mat[:, 1:] - key_energy_mat[:, :-1]
    same_hard_mask = jnp.where(indices_change, 0.0, 1.0)
    key_energy_change = key_energy_change * same_hard_mask
    loss_key_energy_descent = jnp.maximum(
        key_energy_change + 1e-06 / N_E, jnp.zeros_like(key_energy_change)).mean()
    loss_min_indices = jnp.sum((sg(key_soft) - key_min) ** 2, axis=-1) + \
        jnp.sum((key_soft - sg(key_min)) ** 2, axis=-1) * LEGACY_CLUSTER
    reg_persist_mat = jnp.exp(-key_em_next)
    e_normal_mat = jnp.where(
        key_em_here > loss_min_indices - 1e-06 / N_E,
        key_em_here - loss_min_indices + 1e-06 / N_E, key_em_here) + reg_persist_mat
    reg_escape_mat = jnp.exp(-key_em_here)
    e_abnormal_mat = key_em_next + reg_escape_mat
    key_hard = key_soft + sg(key_hard_here - key_soft)
    mn = jnp.min(encoding_indices, axis=1)
    mx = jnp.max(encoding_indices, axis=1)
    v = jnp.max(mx - mn)
    return (key_hard, encoding_indices, v, loss_key_energy_descent,
            key_energy_mat, e_normal_mat, e_abnormal_mat)

# --- scband reference (transcript-rebuilt; emitter-appended) ---
"""Pipeline reference for scband-vqneighbor-26405458936343 (READ-ONLY COPY).

The authoritative reference and input builder live on the scoring server;
editing this copy changes nothing except your own understanding.
"""

import jax, jax.numpy as jnp
import numpy as np

N_E = 1024
E_DIM = 64
LEGACY_CLUSTER = 0.2
LEGACY_ENERGY = 0.2
B = 16
T = 576


def _forward(key_soft, emb_weight):
    sg = jax.lax.stop_gradient
    B_, T_, _ = key_soft.shape
    ksf = key_soft.reshape(-1, E_DIM)
    d = jnp.sum(ksf ** 2, axis=1, keepdims=True) + jnp.sum(emb_weight ** 2, axis=1) - 2.0 * (ksf @ emb_weight.T)
    d_ng = sg(d)
    min_indices = jnp.argmin(d_ng, axis=1)
    d3 = d_ng.reshape(B_, T_, N_E + 1)
    ind0 = jnp.clip(jnp.argmin(d3[:, 0, :], axis=1), 0, N_E - 1)

    def step(ind, d_t):
        d_here = jnp.take_along_axis(d_t, ind[:, None], axis=1)[:, 0]
        ind_next = jnp.clip(ind + 1, 0, N_E - 1)
        d_next = jnp.take_along_axis(d_t, ind_next[:, None], axis=1)[:, 0]
        ind_new = jnp.where(d_here <= d_next, ind, ind_next)
        return ind_new, ind_new

    _, inds_rest = jax.lax.scan(step, ind0, jnp.swapaxes(d3[:, 1:, :], 0, 1))
    encoding_indices = jnp.concatenate([ind0[:, None], jnp.swapaxes(inds_rest, 0, 1)], axis=1)
    flat = encoding_indices.reshape(-1)
    key_hard_here = emb_weight[flat].reshape(key_soft.shape)
    key_hard_next = emb_weight[flat + 1].reshape(key_soft.shape)
    key_min = emb_weight[min_indices].reshape(key_soft.shape)
    key_em_here = jnp.sum((sg(key_soft) - key_hard_here) ** 2, axis=-1) + jnp.sum((key_soft - sg(key_hard_here)) ** 2, axis=-1) * LEGACY_ENERGY
    key_em_next = jnp.sum((sg(key_soft) - key_hard_next) ** 2, axis=-1) + jnp.sum((key_soft - sg(key_hard_next)) ** 2, axis=-1) * LEGACY_ENERGY
    key_energy_mat = key_em_next - key_em_here
    indices_change = (encoding_indices[:, 1:] - encoding_indices[:, :-1]).astype(bool)
    key_energy_change = key_energy_mat[:, 1:] - key_energy_mat[:, :-1]
    same_hard_mask = jnp.where(indices_change, 0.0, 1.0)
    key_energy_change = key_energy_change * same_hard_mask
    loss_key_energy_descent = jnp.maximum(key_energy_change + 1e-06 / N_E, jnp.zeros_like(key_energy_change)).mean()
    loss_min_indices = jnp.sum((sg(key_soft) - key_min) ** 2, axis=-1) + jnp.sum((key_soft - sg(key_min)) ** 2, axis=-1) * LEGACY_CLUSTER
    reg_persist_mat = jnp.exp(-key_em_next)
    e_normal_mat = jnp.where(key_em_here > loss_min_indices - 1e-06 / N_E, key_em_here - loss_min_indices + 1e-06 / N_E, key_em_here) + reg_persist_mat
    reg_escape_mat = jnp.exp(-key_em_here)
    e_abnormal_mat = key_em_next + reg_escape_mat
    key_hard = key_soft + sg(key_hard_here - key_soft)
    mn = jnp.min(encoding_indices, axis=1)
    mx = jnp.max(encoding_indices, axis=1)
    v = jnp.max(mx - mn)
    return (key_hard, encoding_indices, v, loss_key_energy_descent, key_energy_mat, e_normal_mat, e_abnormal_mat)


def setup_inputs(seed: int = 0):
    key = jax.random.key(seed)
    k1, k2 = jax.random.split(key)
    key_soft = jax.random.normal(k1, (B, T, E_DIM), dtype=jnp.float32)
    emb_weight = jax.random.uniform(k2, (N_E + 1, E_DIM), dtype=jnp.float32, minval=-1.0 / N_E, maxval=1.0 / N_E)
    return {"key_soft": key_soft, "emb_weight": emb_weight}


def reference(key_soft, emb_weight):
    return _forward(key_soft, emb_weight)

if __name__ == "__main__":
    import jax
    _d = setup_inputs()
    print(jax.jit(kernel)(*tuple(_d.values())))

</pallas_src>

<mosaic_0001>
#map = affine_map<(d0, d1) -> (0, 0)>
#map1 = affine_map<(d0, d1) -> (0)>
module attributes {stable_mosaic.version = 14 : i64} {
  func.func @_scan_body(%arg0: i32, %arg1: i32, %arg2: memref<9216x1152xf32, #tpu.memory_space<hbm>>, %arg3: memref<256xi32, #tpu.memory_space<hbm>>, %arg4: memref<9216xi32, #tpu.memory_space<hbm>>, %arg5: memref<152x768xf32, #tpu.memory_space<vmem>>, %arg6: memref<576xi32, #tpu.memory_space<vmem>>, %arg7: memref<16xi32, #tpu.memory_space<vmem>>) attributes {dimension_semantics = [#tpu.dimension_semantics<core_parallel>, #tpu.dimension_semantics<subcore_parallel>], iteration_bounds = array<i64: 2, 16>, scalar_prefetch = 0 : i64, scratch_operands = 3 : i64, tpu.core_type = #tpu.core_type<sc_vector_subcore>, window_params = [{transform_indices = #map}, {transform_indices = #map1}, {transform_indices = #map1}]} {
    %iota3A = tpu.iota {dimensions = array<i32: 0>} : vector<16xi32>
    %lt3A = arith.constant 8 : i32
    %lt3A_0 = arith.cmpi slt, %arg1, %lt3A : i32
    %convert_element_type3A = arith.extui %lt3A_0 : i1 to i32
    %cond3A = arith.constant 0 : i32
    %cond3A_1 = arith.cmpi ne, %convert_element_type3A, %cond3A : i32
    scf.if %cond3A_1 {
      %mul3A = arith.constant 2 : i32
      %mul3A_2 = arith.muli %arg1, %mul3A : i32
      %add3A = arith.addi %mul3A_2, %arg0 : i32
      %mul3A_3 = arith.constant 16 : i32
      %mul3A_4 = arith.muli %add3A, %mul3A_3 : i32
      "tpu.region"() ({
        %run_scoped3A = tpu.sem_alloc : memref<!tpu.dma_semaphore, #tpu.memory_space<semaphore_mem>>
        %dma_start3A = tpu.memref_slice %arg3[%mul3A_4] : memref<256xi32, #tpu.memory_space<hbm>> -> memref<16xi32, #tpu.memory_space<hbm>>
        %dma_start3A_71 = tpu.memref_slice %arg3[%mul3A_4] : memref<256xi32, #tpu.memory_space<hbm>> -> memref<16xi32, #tpu.memory_space<hbm>>
        tpu.enqueue_dma source(%dma_start3A_71 : memref<16xi32, #tpu.memory_space<hbm>>) target(%arg7 : memref<16xi32, #tpu.memory_space<vmem>>) target_semaphore(%run_scoped3A : memref<!tpu.dma_semaphore, #tpu.memory_space<semaphore_mem>>)
        %dma_wait3A = tpu.memref_slice %arg3[%mul3A_4] : memref<256xi32, #tpu.memory_space<hbm>> -> memref<16xi32, #tpu.memory_space<hbm>>
        %dma_wait3A_72 = tpu.memref_slice %arg3[%mul3A_4] : memref<256xi32, #tpu.memory_space<hbm>> -> memref<16xi32, #tpu.memory_space<hbm>>
        tpu.wait_dma2 semaphore(%run_scoped3A : memref<!tpu.dma_semaphore, #tpu.memory_space<semaphore_mem>>) src(%dma_wait3A_72 : memref<16xi32, #tpu.memory_space<hbm>>) dst(%arg7 : memref<16xi32, #tpu.memory_space<vmem>>)
        tpu.yield
      }) : () -> ()
      %get3A = arith.constant 0 : index
      %get3A_5 = tpu.vector_load %arg7[%get3A] {strides = array<i32>} : memref<16xi32, #tpu.memory_space<vmem>>, vector<16xi32>,
      %slice3A = vector.extract_strided_slice %get3A_5 {offsets = [0], sizes = [1], strides = [1]} : vector<16xi32> to vector<1xi32>
      %squeeze3A = vector.extract %slice3A[0] : i32 from vector<1xi32>
      %jit3A = arith.constant 128 : i32
      %div3A = arith.divsi %squeeze3A, %jit3A : i32
      %sign3A = arith.constant 0 : i32
      %sign3A_6 = arith.cmpi sgt, %squeeze3A, %sign3A : i32
      %sign3A_7 = arith.extui %sign3A_6 : i1 to i32
      %sign3A_8 = arith.constant 0 : i32
      %sign3A_9 = arith.cmpi slt, %squeeze3A, %sign3A_8 : i32
      %sign3A_10 = arith.extui %sign3A_9 : i1 to i32
      %sign3A_11 = arith.subi %sign3A_7, %sign3A_10 : i32
      %sign3A_12 = arith.constant 0 : i32
      %sign3A_13 = arith.cmpi sgt, %jit3A, %sign3A_12 : i32
      %sign3A_14 = arith.extui %sign3A_13 : i1 to i32
      %sign3A_15 = arith.constant 0 : i32
      %sign3A_16 = arith.cmpi slt, %jit3A, %sign3A_15 : i32
      %sign3A_17 = arith.extui %sign3A_16 : i1 to i32
      %sign3A_18 = arith.subi %sign3A_14, %sign3A_17 : i32
      %ne3A = arith.cmpi ne, %sign3A_11, %sign3A_18 : i32
      %rem3A = arith.remsi %squeeze3A, %jit3A : i32
      %ne3A_19 = arith.constant 0 : i32
      %ne3A_20 = arith.cmpi ne, %rem3A, %ne3A_19 : i32
      %and3A = arith.andi %ne3A, %ne3A_20 : i1
      %sub3A = arith.constant 1 : i32
      %sub3A_21 = arith.subi %div3A, %sub3A : i32
      %select_n3A = arith.select %and3A, %sub3A_21, %div3A : i32
      %mul3A_22 = arith.constant 128 : i32
      %mul3A_23 = arith.muli %select_n3A, %mul3A_22 : i32
      %min3A = arith.constant 384 : i32
      %min3A_24 = arith.minsi %mul3A_23, %min3A : i32
      %eq3A = arith.constant 0 : i32
      %eq3A_25 = vector.broadcast %eq3A : i32 to vector<16xi32>
      %eq3A_26 = arith.cmpi eq, %iota3A, %eq3A_25 : vector<16xi32>
      %broadcast_in_dim3A = vector.broadcast %squeeze3A : i32 to vector<16xi32>
      %broadcast_in_dim3A_27 = arith.constant 0 : i32
      %broadcast_in_dim3A_28 = vector.broadcast %broadcast_in_dim3A_27 : i32 to vector<16xi32>
      %select_n3A_29 = arith.select %eq3A_26, %broadcast_in_dim3A, %broadcast_in_dim3A_28 : vector<16xi1>, vector<16xi32>
      %mul3A_30 = arith.constant 576 : i32
      %mul3A_31 = arith.muli %add3A, %mul3A_30 : i32
      %add3A_32 = arith.constant 0 : i32
      %add3A_33 = arith.addi %mul3A_31, %add3A_32 : i32
      "tpu.region"() ({
        %run_scoped3A = tpu.sem_alloc : memref<!tpu.dma_semaphore, #tpu.memory_space<semaphore_mem>>
        %dma_start3A = arith.constant 0 : i32
        %dma_start3A_71 = arith.constant 0 : i32
        %dma_start3A_72 = tpu.memref_slice %arg5[%dma_start3A, %dma_start3A_71] : memref<152x768xf32, #tpu.memory_space<vmem>> -> memref<152x768xf32, #tpu.memory_space<vmem>>
        %dma_start3A_73 = tpu.memref_slice %arg2[%add3A_33, %min3A_24] : memref<9216x1152xf32, #tpu.memory_space<hbm>> -> memref<152x768xf32, #tpu.memory_space<hbm>>
        %dma_start3A_74 = arith.constant 0 : i32
        %dma_start3A_75 = arith.constant 0 : i32
        %dma_start3A_76 = tpu.memref_slice %arg5[%dma_start3A_74, %dma_start3A_75] : memref<152x768xf32, #tpu.memory_space<vmem>> -> memref<152x768xf32, #tpu.memory_space<vmem>>
        %dma_start3A_77 = tpu.memref_slice %arg2[%add3A_33, %min3A_24] : memref<9216x1152xf32, #tpu.memory_space<hbm>> -> memref<152x768xf32, #tpu.memory_space<hbm>>
        tpu.enqueue_dma source(%dma_start3A_77 : memref<152x768xf32, #tpu.memory_space<hbm>>) target(%dma_start3A_76 : memref<152x768xf32, #tpu.memory_space<vmem>>) target_semaphore(%run_scoped3A : memref<!tpu.dma_semaphore, #tpu.memory_space<semaphore_mem>>)
        %dma_wait3A = arith.constant 0 : i32
        %dma_wait3A_78 = arith.constant 0 : i32
        %dma_wait3A_79 = tpu.memref_slice %arg5[%dma_wait3A, %dma_wait3A_78] : memref<152x768xf32, #tpu.memory_space<vmem>> -> memref<152x768xf32, #tpu.memory_space<vmem>>
        %dma_wait3A_80 = tpu.memref_slice %arg2[%add3A_33, %min3A_24] : memref<9216x1152xf32, #tpu.memory_space<hbm>> -> memref<152x768xf32, #tpu.memory_space<hbm>>
        %dma_wait3A_81 = arith.constant 0 : i32
        %dma_wait3A_82 = arith.constant 0 : i32
        %dma_wait3A_83 = tpu.memref_slice %arg5[%dma_wait3A_81, %dma_wait3A_82] : memref<152x768xf32, #tpu.memory_space<vmem>> -> memref<152x768xf32, #tpu.memory_space<vmem>>
        %dma_wait3A_84 = tpu.memref_slice %arg2[%add3A_33, %min3A_24] : memref<9216x1152xf32, #tpu.memory_space<hbm>> -> memref<152x768xf32, #tpu.memory_space<hbm>>
        tpu.wait_dma2 semaphore(%run_scoped3A : memref<!tpu.dma_semaphore, #tpu.memory_space<semaphore_mem>>) src(%dma_wait3A_84 : memref<152x768xf32, #tpu.memory_space<hbm>>) dst(%dma_wait3A_83 : memref<152x768xf32, #tpu.memory_space<vmem>>)
        tpu.yield
      }) : () -> ()
      %scan3A = arith.constant 0 : i32
      %scan3A_34 = arith.constant 144 : i32
      %scan3A_35 = arith.addi %scan3A, %scan3A_34 : i32
      %scan3A_36 = arith.constant 1 : i32
      %scan3A_37:2 = scf.for %scan3A_71 = %scan3A to %scan3A_35 step %scan3A_36 iter_args(%scan3A_72 = %squeeze3A, %scan3A_73 = %select_n3A_29) -> (i32, vector<16xi32>)  : i32 {
        %add3A_74 = arith.constant 1 : i32
        %add3A_75 = arith.addi %add3A_74, %scan3A_71 : i32
        %add3A_76 = arith.constant 1 : i32
        %add3A_77 = arith.addi %add3A_76, %scan3A_71 : i32
        %sub3A_78 = arith.subi %scan3A_72, %min3A_24 : i32
        %jit3A_79 = arith.constant 16 : i32
        %div3A_80 = arith.divsi %sub3A_78, %jit3A_79 : i32
        %sign3A_81 = arith.constant 0 : i32
        %sign3A_82 = arith.cmpi sgt, %sub3A_78, %sign3A_81 : i32
        %sign3A_83 = arith.extui %sign3A_82 : i1 to i32
        %sign3A_84 = arith.constant 0 : i32
        %sign3A_85 = arith.cmpi slt, %sub3A_78, %sign3A_84 : i32
        %sign3A_86 = arith.extui %sign3A_85 : i1 to i32
        %sign3A_87 = arith.subi %sign3A_83, %sign3A_86 : i32
        %sign3A_88 = arith.constant 0 : i32
        %sign3A_89 = arith.cmpi sgt, %jit3A_79, %sign3A_88 : i32
        %sign3A_90 = arith.extui %sign3A_89 : i1 to i32
        %sign3A_91 = arith.constant 0 : i32
        %sign3A_92 = arith.cmpi slt, %jit3A_79, %sign3A_91 : i32
        %sign3A_93 = arith.extui %sign3A_92 : i1 to i32
        %sign3A_94 = arith.subi %sign3A_90, %sign3A_93 : i32
        %ne3A_95 = arith.cmpi ne, %sign3A_87, %sign3A_94 : i32
        %rem3A_96 = arith.remsi %sub3A_78, %jit3A_79 : i32
        %ne3A_97 = arith.constant 0 : i32
        %ne3A_98 = arith.cmpi ne, %rem3A_96, %ne3A_97 : i32
        %and3A_99 = arith.andi %ne3A_95, %ne3A_98 : i1
        %sub3A_100 = arith.constant 1 : i32
        %sub3A_101 = arith.subi %div3A_80, %sub3A_100 : i32
        %select_n3A_102 = arith.select %and3A_99, %sub3A_101, %div3A_80 : i32
        %mul3A_103 = arith.constant 16 : i32
        %mul3A_104 = arith.muli %select_n3A_102, %mul3A_103 : i32
        %sub3A_105 = arith.subi %sub3A_78, %mul3A_104 : i32
        %get3A_106 = arith.index_cast %add3A_77 : i32 to index
        %get3A_107 = arith.index_cast %mul3A_104 : i32 to index
        %get3A_108 = tpu.vector_load %arg5[%get3A_106, %get3A_107] {strides = array<i32>} : memref<152x768xf32, #tpu.memory_space<vmem>>, vector<16xf32>,
        %add3A_109 = arith.constant 16 : i32
        %add3A_110 = arith.addi %mul3A_104, %add3A_109 : i32
        %get3A_111 = arith.index_cast %add3A_77 : i32 to index
        %get3A_112 = arith.index_cast %add3A_110 : i32 to index
        %get3A_113 = tpu.vector_load %arg5[%get3A_111, %get3A_112] {strides = array<i32>} : memref<152x768xf32, #tpu.memory_space<vmem>>, vector<16xf32>,
        %eq3A_114 = arith.constant 15 : i32
        %eq3A_115 = arith.cmpi eq, %sub3A_105, %eq3A_114 : i32
        %broadcast_in_dim3A_116 = vector.broadcast %eq3A_115 : i1 to vector<16xi1>
        %select_n3A_117 = arith.select %broadcast_in_dim3A_116, %get3A_113, %get3A_108 : vector<16xi1>, vector<16xf32>
        %add3A_118 = arith.constant 1 : i32
        %add3A_119 = arith.addi %sub3A_105, %add3A_118 : i32
        %jit3A_120 = arith.constant 0 : i32
        %select_n3A_121 = arith.select %eq3A_115, %jit3A_120, %add3A_119 : i32
        %broadcast_in_dim3A_122 = arith.constant 0.000000e+00 : f32
        %broadcast_in_dim3A_123 = vector.broadcast %broadcast_in_dim3A_122 : f32 to vector<16xf32>
        %eq3A_124 = vector.broadcast %sub3A_105 : i32 to vector<16xi32>
        %eq3A_125 = arith.cmpi eq, %iota3A, %eq3A_124 : vector<16xi32>
        %select_n3A_126 = arith.select %eq3A_125, %get3A_108, %broadcast_in_dim3A_123 : vector<16xi1>, vector<16xf32>
        %eq3A_127 = vector.broadcast %select_n3A_121 : i32 to vector<16xi32>
        %eq3A_128 = arith.cmpi eq, %iota3A, %eq3A_127 : vector<16xi32>
        %select_n3A_129 = arith.select %eq3A_128, %select_n3A_117, %broadcast_in_dim3A_123 : vector<16xi1>, vector<16xf32>
        %sub3A_130 = arith.subf %select_n3A_126, %select_n3A_129 : vector<16xf32>
        %add3A_131 = arith.constant 1 : i32
        %add3A_132 = arith.addi %scan3A_72, %add3A_131 : i32
        %min3A_133 = arith.constant 1023 : i32
        %min3A_134 = arith.minsi %add3A_132, %min3A_133 : i32
        %reduce_sum3A = arith.constant true
        %reduce_sum3A_135 = vector.broadcast %reduce_sum3A : i1 to vector<16xi1>
        %reduce_sum3A_136 = tpu.scan <sum>, %sub3A_130 masked %reduce_sum3A_135 : vector<16xf32>, vector<16xi1> -> vector<16xf32>
        %reduce_sum3A_137 = vector.extract %reduce_sum3A_136[15] : f32 from vector<16xf32>
        %gt3A = arith.constant 0.000000e+00 : f32
        %gt3A_138 = arith.cmpf ogt, %reduce_sum3A_137, %gt3A : f32
        %select_n3A_139 = arith.select %gt3A_138, %min3A_134, %scan3A_72 : i32
        %jit3A_140 = arith.constant 16 : i32
        %eq3A_141 = arith.constant 0 : i32
        %eq3A_142 = arith.cmpi eq, %jit3A_140, %eq3A_141 : i32
        %jit3A_143 = arith.constant 1 : i32
        %select_n3A_144 = arith.select %eq3A_142, %jit3A_143, %jit3A_140 : i32
        %rem3A_145 = arith.remsi %add3A_75, %select_n3A_144 : i32
        %ne3A_146 = arith.constant 0 : i32
        %ne3A_147 = arith.cmpi ne, %rem3A_145, %ne3A_146 : i32
        %lt3A_148 = arith.constant 0 : i32
        %lt3A_149 = arith.cmpi slt, %rem3A_145, %lt3A_148 : i32
        %lt3A_150 = arith.constant 0 : i32
        %lt3A_151 = arith.cmpi slt, %select_n3A_144, %lt3A_150 : i32
        %ne3A_152 = arith.xori %lt3A_149, %lt3A_151 : i1
        %and3A_153 = arith.andi %ne3A_152, %ne3A_147 : i1
        %add3A_154 = arith.addi %rem3A_145, %select_n3A_144 : i32
        %select_n3A_155 = arith.select %and3A_153, %add3A_154, %rem3A_145 : i32
        %eq3A_156 = vector.broadcast %select_n3A_155 : i32 to vector<16xi32>
        %eq3A_157 = arith.cmpi eq, %iota3A, %eq3A_156 : vector<16xi32>
        %broadcast_in_dim3A_158 = vector.broadcast %select_n3A_139 : i32 to vector<16xi32>
        %select_n3A_159 = arith.select %eq3A_157, %broadcast_in_dim3A_158, %scan3A_73 : vector<16xi1>, vector<16xi32>
        %jit3A_160 = arith.constant 16 : i32
        %eq3A_161 = arith.constant 0 : i32
        %eq3A_162 = arith.cmpi eq, %jit3A_160, %eq3A_161 : i32
        %jit3A_163 = arith.constant 1 : i32
        %select_n3A_164 = arith.select %eq3A_162, %jit3A_163, %jit3A_160 : i32
        %rem3A_165 = arith.remsi %add3A_75, %select_n3A_164 : i32
        %ne3A_166 = arith.constant 0 : i32
        %ne3A_167 = arith.cmpi ne, %rem3A_165, %ne3A_166 : i32
        %lt3A_168 = arith.constant 0 : i32
        %lt3A_169 = arith.cmpi slt, %rem3A_165, %lt3A_168 : i32
        %lt3A_170 = arith.constant 0 : i32
        %lt3A_171 = arith.cmpi slt, %select_n3A_164, %lt3A_170 : i32
        %ne3A_172 = arith.xori %lt3A_169, %lt3A_171 : i1
        %and3A_173 = arith.andi %ne3A_172, %ne3A_167 : i1
        %add3A_174 = arith.addi %rem3A_165, %select_n3A_164 : i32
        %select_n3A_175 = arith.select %and3A_173, %add3A_174, %rem3A_165 : i32
        %eq3A_176 = arith.constant 15 : i32
        %eq3A_177 = arith.cmpi eq, %select_n3A_175, %eq3A_176 : i32
        %convert_element_type3A_178 = arith.extui %eq3A_177 : i1 to i32
        %cond3A_179 = arith.constant 0 : i32
        %cond3A_180 = arith.cmpi ne, %convert_element_type3A_178, %cond3A_179 : i32
        scf.if %cond3A_180 {
          %sub3A_181 = arith.constant 15 : i32
          %sub3A_182 = arith.subi %add3A_75, %sub3A_181 : i32
          %swap3A = arith.index_cast %sub3A_182 : i32 to index
          %swap3A_183 = tpu.vector_load %arg6[%swap3A] {strides = array<i32>} : memref<576xi32, #tpu.memory_space<vmem>>, vector<16xi32>,
          tpu.vector_store %arg6[%swap3A], %select_n3A_159 {strides = array<i32>} : memref<576xi32, #tpu.memory_space<vmem>>, vector<16xi32>,
        } else {
        }
        scf.yield %select_n3A_139, %select_n3A_159 : i32, vector<16xi32>
      }
      %scan3A_38 = arith.constant 144 : i32
      %mul3A_39 = arith.constant 576 : i32
      %mul3A_40 = arith.muli %add3A, %mul3A_39 : i32
      %add3A_41 = arith.constant 144 : i32
      %add3A_42 = arith.addi %mul3A_40, %add3A_41 : i32
      "tpu.region"() ({
        %run_scoped3A = tpu.sem_alloc : memref<!tpu.dma_semaphore, #tpu.memory_space<semaphore_mem>>
        %dma_start3A = arith.constant 0 : i32
        %dma_start3A_71 = arith.constant 0 : i32
        %dma_start3A_72 = tpu.memref_slice %arg5[%dma_start3A, %dma_start3A_71] : memref<152x768xf32, #tpu.memory_space<vmem>> -> memref<152x768xf32, #tpu.memory_space<vmem>>
        %dma_start3A_73 = tpu.memref_slice %arg2[%add3A_42, %min3A_24] : memref<9216x1152xf32, #tpu.memory_space<hbm>> -> memref<152x768xf32, #tpu.memory_space<hbm>>
        %dma_start3A_74 = arith.constant 0 : i32
        %dma_start3A_75 = arith.constant 0 : i32
        %dma_start3A_76 = tpu.memref_slice %arg5[%dma_start3A_74, %dma_start3A_75] : memref<152x768xf32, #tpu.memory_space<vmem>> -> memref<152x768xf32, #tpu.memory_space<vmem>>
        %dma_start3A_77 = tpu.memref_slice %arg2[%add3A_42, %min3A_24] : memref<9216x1152xf32, #tpu.memory_space<hbm>> -> memref<152x768xf32, #tpu.memory_space<hbm>>
        tpu.enqueue_dma source(%dma_start3A_77 : memref<152x768xf32, #tpu.memory_space<hbm>>) target(%dma_start3A_76 : memref<152x768xf32, #tpu.memory_space<vmem>>) target_semaphore(%run_scoped3A : memref<!tpu.dma_semaphore, #tpu.memory_space<semaphore_mem>>)
        %dma_wait3A = arith.constant 0 : i32
        %dma_wait3A_78 = arith.constant 0 : i32
        %dma_wait3A_79 = tpu.memref_slice %arg5[%dma_wait3A, %dma_wait3A_78] : memref<152x768xf32, #tpu.memory_space<vmem>> -> memref<152x768xf32, #tpu.memory_space<vmem>>
        %dma_wait3A_80 = tpu.memref_slice %arg2[%add3A_42, %min3A_24] : memref<9216x1152xf32, #tpu.memory_space<hbm>> -> memref<152x768xf32, #tpu.memory_space<hbm>>
        %dma_wait3A_81 = arith.constant 0 : i32
        %dma_wait3A_82 = arith.constant 0 : i32
        %dma_wait3A_83 = tpu.memref_slice %arg5[%dma_wait3A_81, %dma_wait3A_82] : memref<152x768xf32, #tpu.memory_space<vmem>> -> memref<152x768xf32, #tpu.memory_space<vmem>>
        %dma_wait3A_84 = tpu.memref_slice %arg2[%add3A_42, %min3A_24] : memref<9216x1152xf32, #tpu.memory_space<hbm>> -> memref<152x768xf32, #tpu.memory_space<hbm>>
        tpu.wait_dma2 semaphore(%run_scoped3A : memref<!tpu.dma_semaphore, #tpu.memory_space<semaphore_mem>>) src(%dma_wait3A_84 : memref<152x768xf32, #tpu.memory_space<hbm>>) dst(%dma_wait3A_83 : memref<152x768xf32, #tpu.memory_space<vmem>>)
        tpu.yield
      }) : () -> ()
      %scan3A_43 = arith.constant 0 : i32
      %scan3A_44 = arith.constant 144 : i32
      %scan3A_45 = arith.addi %scan3A_43, %scan3A_44 : i32
      %scan3A_46 = arith.constant 1 : i32
      %scan3A_47:2 = scf.for %scan3A_71 = %scan3A_43 to %scan3A_45 step %scan3A_46 iter_args(%scan3A_72 = %scan3A_37#0, %scan3A_73 = %scan3A_37#1) -> (i32, vector<16xi32>)  : i32 {
        %add3A_74 = arith.constant 145 : i32
        %add3A_75 = arith.addi %add3A_74, %scan3A_71 : i32
        %add3A_76 = arith.constant 1 : i32
        %add3A_77 = arith.addi %add3A_76, %scan3A_71 : i32
        %sub3A_78 = arith.subi %scan3A_72, %min3A_24 : i32
        %jit3A_79 = arith.constant 16 : i32
        %div3A_80 = arith.divsi %sub3A_78, %jit3A_79 : i32
        %sign3A_81 = arith.constant 0 : i32
        %sign3A_82 = arith.cmpi sgt, %sub3A_78, %sign3A_81 : i32
        %sign3A_83 = arith.extui %sign3A_82 : i1 to i32
        %sign3A_84 = arith.constant 0 : i32
        %sign3A_85 = arith.cmpi slt, %sub3A_78, %sign3A_84 : i32
        %sign3A_86 = arith.extui %sign3A_85 : i1 to i32
        %sign3A_87 = arith.subi %sign3A_83, %sign3A_86 : i32
        %sign3A_88 = arith.constant 0 : i32
        %sign3A_89 = arith.cmpi sgt, %jit3A_79, %sign3A_88 : i32
        %sign3A_90 = arith.extui %sign3A_89 : i1 to i32
        %sign3A_91 = arith.constant 0 : i32
        %sign3A_92 = arith.cmpi slt, %jit3A_79, %sign3A_91 : i32
        %sign3A_93 = arith.extui %sign3A_92 : i1 to i32
        %sign3A_94 = arith.subi %sign3A_90, %sign3A_93 : i32
        %ne3A_95 = arith.cmpi ne, %sign3A_87, %sign3A_94 : i32
        %rem3A_96 = arith.remsi %sub3A_78, %jit3A_79 : i32
        %ne3A_97 = arith.constant 0 : i32
        %ne3A_98 = arith.cmpi ne, %rem3A_96, %ne3A_97 : i32
        %and3A_99 = arith.andi %ne3A_95, %ne3A_98 : i1
        %sub3A_100 = arith.constant 1 : i32
        %sub3A_101 = arith.subi %div3A_80, %sub3A_100 : i32
        %select_n3A_102 = arith.select %and3A_99, %sub3A_101, %div3A_80 : i32
        %mul3A_103 = arith.constant 16 : i32
        %mul3A_104 = arith.muli %select_n3A_102, %mul3A_103 : i32
        %sub3A_105 = arith.subi %sub3A_78, %mul3A_104 : i32
        %get3A_106 = arith.index_cast %add3A_77 : i32 to index
        %get3A_107 = arith.index_cast %mul3A_104 : i32 to index
        %get3A_108 = tpu.vector_load %arg5[%get3A_106, %get3A_107] {strides = array<i32>} : memref<152x768xf32, #tpu.memory_space<vmem>>, vector<16xf32>,
        %add3A_109 = arith.constant 16 : i32
        %add3A_110 = arith.addi %mul3A_104, %add3A_109 : i32
        %get3A_111 = arith.index_cast %add3A_77 : i32 to index
        %get3A_112 = arith.index_cast %add3A_110 : i32 to index
        %get3A_113 = tpu.vector_load %arg5[%get3A_111, %get3A_112] {strides = array<i32>} : memref<152x768xf32, #tpu.memory_space<vmem>>, vector<16xf32>,
        %eq3A_114 = arith.constant 15 : i32
        %eq3A_115 = arith.cmpi eq, %sub3A_105, %eq3A_114 : i32
        %broadcast_in_dim3A_116 = vector.broadcast %eq3A_115 : i1 to vector<16xi1>
        %select_n3A_117 = arith.select %broadcast_in_dim3A_116, %get3A_113, %get3A_108 : vector<16xi1>, vector<16xf32>
        %add3A_118 = arith.constant 1 : i32
        %add3A_119 = arith.addi %sub3A_105, %add3A_118 : i32
        %jit3A_120 = arith.constant 0 : i32
        %select_n3A_121 = arith.select %eq3A_115, %jit3A_120, %add3A_119 : i32
        %broadcast_in_dim3A_122 = arith.constant 0.000000e+00 : f32
        %broadcast_in_dim3A_123 = vector.broadcast %broadcast_in_dim3A_122 : f32 to vector<16xf32>
        %eq3A_124 = vector.broadcast %sub3A_105 : i32 to vector<16xi32>
        %eq3A_125 = arith.cmpi eq, %iota3A, %eq3A_124 : vector<16xi32>
        %select_n3A_126 = arith.select %eq3A_125, %get3A_108, %broadcast_in_dim3A_123 : vector<16xi1>, vector<16xf32>
        %eq3A_127 = vector.broadcast %select_n3A_121 : i32 to vector<16xi32>
        %eq3A_128 = arith.cmpi eq, %iota3A, %eq3A_127 : vector<16xi32>
        %select_n3A_129 = arith.select %eq3A_128, %select_n3A_117, %broadcast_in_dim3A_123 : vector<16xi1>, vector<16xf32>
        %sub3A_130 = arith.subf %select_n3A_126, %select_n3A_129 : vector<16xf32>
        %add3A_131 = arith.constant 1 : i32
        %add3A_132 = arith.addi %scan3A_72, %add3A_131 : i32
        %min3A_133 = arith.constant 1023 : i32
        %min3A_134 = arith.minsi %add3A_132, %min3A_133 : i32
        %reduce_sum3A = arith.constant true
        %reduce_sum3A_135 = vector.broadcast %reduce_sum3A : i1 to vector<16xi1>
        %reduce_sum3A_136 = tpu.scan <sum>, %sub3A_130 masked %reduce_sum3A_135 : vector<16xf32>, vector<16xi1> -> vector<16xf32>
        %reduce_sum3A_137 = vector.extract %reduce_sum3A_136[15] : f32 from vector<16xf32>
        %gt3A = arith.constant 0.000000e+00 : f32
        %gt3A_138 = arith.cmpf ogt, %reduce_sum3A_137, %gt3A : f32
        %select_n3A_139 = arith.select %gt3A_138, %min3A_134, %scan3A_72 : i32
        %jit3A_140 = arith.constant 16 : i32
        %eq3A_141 = arith.constant 0 : i32
        %eq3A_142 = arith.cmpi eq, %jit3A_140, %eq3A_141 : i32
        %jit3A_143 = arith.constant 1 : i32
        %select_n3A_144 = arith.select %eq3A_142, %jit3A_143, %jit3A_140 : i32
        %rem3A_145 = arith.remsi %add3A_75, %select_n3A_144 : i32
        %ne3A_146 = arith.constant 0 : i32
        %ne3A_147 = arith.cmpi ne, %rem3A_145, %ne3A_146 : i32
        %lt3A_148 = arith.constant 0 : i32
        %lt3A_149 = arith.cmpi slt, %rem3A_145, %lt3A_148 : i32
        %lt3A_150 = arith.constant 0 : i32
        %lt3A_151 = arith.cmpi slt, %select_n3A_144, %lt3A_150 : i32
        %ne3A_152 = arith.xori %lt3A_149, %lt3A_151 : i1
        %and3A_153 = arith.andi %ne3A_152, %ne3A_147 : i1
        %add3A_154 = arith.addi %rem3A_145, %select_n3A_144 : i32
        %select_n3A_155 = arith.select %and3A_153, %add3A_154, %rem3A_145 : i32
        %eq3A_156 = vector.broadcast %select_n3A_155 : i32 to vector<16xi32>
        %eq3A_157 = arith.cmpi eq, %iota3A, %eq3A_156 : vector<16xi32>
        %broadcast_in_dim3A_158 = vector.broadcast %select_n3A_139 : i32 to vector<16xi32>
        %select_n3A_159 = arith.select %eq3A_157, %broadcast_in_dim3A_158, %scan3A_73 : vector<16xi1>, vector<16xi32>
        %jit3A_160 = arith.constant 16 : i32
        %eq3A_161 = arith.constant 0 : i32
        %eq3A_162 = arith.cmpi eq, %jit3A_160, %eq3A_161 : i32
        %jit3A_163 = arith.constant 1 : i32
        %select_n3A_164 = arith.select %eq3A_162, %jit3A_163, %jit3A_160 : i32
        %rem3A_165 = arith.remsi %add3A_75, %select_n3A_164 : i32
        %ne3A_166 = arith.constant 0 : i32
        %ne3A_167 = arith.cmpi ne, %rem3A_165, %ne3A_166 : i32
        %lt3A_168 = arith.constant 0 : i32
        %lt3A_169 = arith.cmpi slt, %rem3A_165, %lt3A_168 : i32
        %lt3A_170 = arith.constant 0 : i32
        %lt3A_171 = arith.cmpi slt, %select_n3A_164, %lt3A_170 : i32
        %ne3A_172 = arith.xori %lt3A_169, %lt3A_171 : i1
        %and3A_173 = arith.andi %ne3A_172, %ne3A_167 : i1
        %add3A_174 = arith.addi %rem3A_165, %select_n3A_164 : i32
        %select_n3A_175 = arith.select %and3A_173, %add3A_174, %rem3A_165 : i32
        %eq3A_176 = arith.constant 15 : i32
        %eq3A_177 = arith.cmpi eq, %select_n3A_175, %eq3A_176 : i32
        %convert_element_type3A_178 = arith.extui %eq3A_177 : i1 to i32
        %cond3A_179 = arith.constant 0 : i32
        %cond3A_180 = arith.cmpi ne, %convert_element_type3A_178, %cond3A_179 : i32
        scf.if %cond3A_180 {
          %sub3A_181 = arith.constant 15 : i32
          %sub3A_182 = arith.subi %add3A_75, %sub3A_181 : i32
          %swap3A = arith.index_cast %sub3A_182 : i32 to index
          %swap3A_183 = tpu.vector_load %arg6[%swap3A] {strides = array<i32>} : memref<576xi32, #tpu.memory_space<vmem>>, vector<16xi32>,
          tpu.vector_store %arg6[%swap3A], %select_n3A_159 {strides = array<i32>} : memref<576xi32, #tpu.memory_space<vmem>>, vector<16xi32>,
        } else {
        }
        scf.yield %select_n3A_139, %select_n3A_159 : i32, vector<16xi32>
      }
      %scan3A_48 = arith.constant 144 : i32
      %mul3A_49 = arith.constant 576 : i32
      %mul3A_50 = arith.muli %add3A, %mul3A_49 : i32
      %add3A_51 = arith.constant 288 : i32
      %add3A_52 = arith.addi %mul3A_50, %add3A_51 : i32
      "tpu.region"() ({
        %run_scoped3A = tpu.sem_alloc : memref<!tpu.dma_semaphore, #tpu.memory_space<semaphore_mem>>
        %dma_start3A = arith.constant 0 : i32
        %dma_start3A_71 = arith.constant 0 : i32
        %dma_start3A_72 = tpu.memref_slice %arg5[%dma_start3A, %dma_start3A_71] : memref<152x768xf32, #tpu.memory_space<vmem>> -> memref<152x768xf32, #tpu.memory_space<vmem>>
        %dma_start3A_73 = tpu.memref_slice %arg2[%add3A_52, %min3A_24] : memref<9216x1152xf32, #tpu.memory_space<hbm>> -> memref<152x768xf32, #tpu.memory_space<hbm>>
        %dma_start3A_74 = arith.constant 0 : i32
        %dma_start3A_75 = arith.constant 0 : i32
        %dma_start3A_76 = tpu.memref_slice %arg5[%dma_start3A_74, %dma_start3A_75] : memref<152x768xf32, #tpu.memory_space<vmem>> -> memref<152x768xf32, #tpu.memory_space<vmem>>
        %dma_start3A_77 = tpu.memref_slice %arg2[%add3A_52, %min3A_24] : memref<9216x1152xf32, #tpu.memory_space<hbm>> -> memref<152x768xf32, #tpu.memory_space<hbm>>
        tpu.enqueue_dma source(%dma_start3A_77 : memref<152x768xf32, #tpu.memory_space<hbm>>) target(%dma_start3A_76 : memref<152x768xf32, #tpu.memory_space<vmem>>) target_semaphore(%run_scoped3A : memref<!tpu.dma_semaphore, #tpu.memory_space<semaphore_mem>>)
        %dma_wait3A = arith.constant 0 : i32
        %dma_wait3A_78 = arith.constant 0 : i32
        %dma_wait3A_79 = tpu.memref_slice %arg5[%dma_wait3A, %dma_wait3A_78] : memref<152x768xf32, #tpu.memory_space<vmem>> -> memref<152x768xf32, #tpu.memory_space<vmem>>
        %dma_wait3A_80 = tpu.memref_slice %arg2[%add3A_52, %min3A_24] : memref<9216x1152xf32, #tpu.memory_space<hbm>> -> memref<152x768xf32, #tpu.memory_space<hbm>>
        %dma_wait3A_81 = arith.constant 0 : i32
        %dma_wait3A_82 = arith.constant 0 : i32
        %dma_wait3A_83 = tpu.memref_slice %arg5[%dma_wait3A_81, %dma_wait3A_82] : memref<152x768xf32, #tpu.memory_space<vmem>> -> memref<152x768xf32, #tpu.memory_space<vmem>>
        %dma_wait3A_84 = tpu.memref_slice %arg2[%add3A_52, %min3A_24] : memref<9216x1152xf32, #tpu.memory_space<hbm>> -> memref<152x768xf32, #tpu.memory_space<hbm>>
        tpu.wait_dma2 semaphore(%run_scoped3A : memref<!tpu.dma_semaphore, #tpu.memory_space<semaphore_mem>>) src(%dma_wait3A_84 : memref<152x768xf32, #tpu.memory_space<hbm>>) dst(%dma_wait3A_83 : memref<152x768xf32, #tpu.memory_space<vmem>>)
        tpu.yield
      }) : () -> ()
      %scan3A_53 = arith.constant 0 : i32
      %scan3A_54 = arith.constant 144 : i32
      %scan3A_55 = arith.addi %scan3A_53, %scan3A_54 : i32
      %scan3A_56 = arith.constant 1 : i32
      %scan3A_57:2 = scf.for %scan3A_71 = %scan3A_53 to %scan3A_55 step %scan3A_56 iter_args(%scan3A_72 = %scan3A_47#0, %scan3A_73 = %scan3A_47#1) -> (i32, vector<16xi32>)  : i32 {
        %add3A_74 = arith.constant 289 : i32
        %add3A_75 = arith.addi %add3A_74, %scan3A_71 : i32
        %add3A_76 = arith.constant 1 : i32
        %add3A_77 = arith.addi %add3A_76, %scan3A_71 : i32
        %sub3A_78 = arith.subi %scan3A_72, %min3A_24 : i32
        %jit3A_79 = arith.constant 16 : i32
        %div3A_80 = arith.divsi %sub3A_78, %jit3A_79 : i32
        %sign3A_81 = arith.constant 0 : i32
        %sign3A_82 = arith.cmpi sgt, %sub3A_78, %sign3A_81 : i32
        %sign3A_83 = arith.extui %sign3A_82 : i1 to i32
        %sign3A_84 = arith.constant 0 : i32
        %sign3A_85 = arith.cmpi slt, %sub3A_78, %sign3A_84 : i32
        %sign3A_86 = arith.extui %sign3A_85 : i1 to i32
        %sign3A_87 = arith.subi %sign3A_83, %sign3A_86 : i32
        %sign3A_88 = arith.constant 0 : i32
        %sign3A_89 = arith.cmpi sgt, %jit3A_79, %sign3A_88 : i32
        %sign3A_90 = arith.extui %sign3A_89 : i1 to i32
        %sign3A_91 = arith.constant 0 : i32
        %sign3A_92 = arith.cmpi slt, %jit3A_79, %sign3A_91 : i32
        %sign3A_93 = arith.extui %sign3A_92 : i1 to i32
        %sign3A_94 = arith.subi %sign3A_90, %sign3A_93 : i32
        %ne3A_95 = arith.cmpi ne, %sign3A_87, %sign3A_94 : i32
        %rem3A_96 = arith.remsi %sub3A_78, %jit3A_79 : i32
        %ne3A_97 = arith.constant 0 : i32
        %ne3A_98 = arith.cmpi ne, %rem3A_96, %ne3A_97 : i32
        %and3A_99 = arith.andi %ne3A_95, %ne3A_98 : i1
        %sub3A_100 = arith.constant 1 : i32
        %sub3A_101 = arith.subi %div3A_80, %sub3A_100 : i32
        %select_n3A_102 = arith.select %and3A_99, %sub3A_101, %div3A_80 : i32
        %mul3A_103 = arith.constant 16 : i32
        %mul3A_104 = arith.muli %select_n3A_102, %mul3A_103 : i32
        %sub3A_105 = arith.subi %sub3A_78, %mul3A_104 : i32
        %get3A_106 = arith.index_cast %add3A_77 : i32 to index
        %get3A_107 = arith.index_cast %mul3A_104 : i32 to index
        %get3A_108 = tpu.vector_load %arg5[%get3A_106, %get3A_107] {strides = array<i32>} : memref<152x768xf32, #tpu.memory_space<vmem>>, vector<16xf32>,
        %add3A_109 = arith.constant 16 : i32
        %add3A_110 = arith.addi %mul3A_104, %add3A_109 : i32
        %get3A_111 = arith.index_cast %add3A_77 : i32 to index
        %get3A_112 = arith.index_cast %add3A_110 : i32 to index
        %get3A_113 = tpu.vector_load %arg5[%get3A_111, %get3A_112] {strides = array<i32>} : memref<152x768xf32, #tpu.memory_space<vmem>>, vector<16xf32>,
        %eq3A_114 = arith.constant 15 : i32
        %eq3A_115 = arith.cmpi eq, %sub3A_105, %eq3A_114 : i32
        %broadcast_in_dim3A_116 = vector.broadcast %eq3A_115 : i1 to vector<16xi1>
        %select_n3A_117 = arith.select %broadcast_in_dim3A_116, %get3A_113, %get3A_108 : vector<16xi1>, vector<16xf32>
        %add3A_118 = arith.constant 1 : i32
        %add3A_119 = arith.addi %sub3A_105, %add3A_118 : i32
        %jit3A_120 = arith.constant 0 : i32
        %select_n3A_121 = arith.select %eq3A_115, %jit3A_120, %add3A_119 : i32
        %broadcast_in_dim3A_122 = arith.constant 0.000000e+00 : f32
        %broadcast_in_dim3A_123 = vector.broadcast %broadcast_in_dim3A_122 : f32 to vector<16xf32>
        %eq3A_124 = vector.broadcast %sub3A_105 : i32 to vector<16xi32>
        %eq3A_125 = arith.cmpi eq, %iota3A, %eq3A_124 : vector<16xi32>
        %select_n3A_126 = arith.select %eq3A_125, %get3A_108, %broadcast_in_dim3A_123 : vector<16xi1>, vector<16xf32>
        %eq3A_127 = vector.broadcast %select_n3A_121 : i32 to vector<16xi32>
        %eq3A_128 = arith.cmpi eq, %iota3A, %eq3A_127 : vector<16xi32>
        %select_n3A_129 = arith.select %eq3A_128, %select_n3A_117, %broadcast_in_dim3A_123 : vector<16xi1>, vector<16xf32>
        %sub3A_130 = arith.subf %select_n3A_126, %select_n3A_129 : vector<16xf32>
        %add3A_131 = arith.constant 1 : i32
        %add3A_132 = arith.addi %scan3A_72, %add3A_131 : i32
        %min3A_133 = arith.constant 1023 : i32
        %min3A_134 = arith.minsi %add3A_132, %min3A_133 : i32
        %reduce_sum3A = arith.constant true
        %reduce_sum3A_135 = vector.broadcast %reduce_sum3A : i1 to vector<16xi1>
        %reduce_sum3A_136 = tpu.scan <sum>, %sub3A_130 masked %reduce_sum3A_135 : vector<16xf32>, vector<16xi1> -> vector<16xf32>
        %reduce_sum3A_137 = vector.extract %reduce_sum3A_136[15] : f32 from vector<16xf32>
        %gt3A = arith.constant 0.000000e+00 : f32
        %gt3A_138 = arith.cmpf ogt, %reduce_sum3A_137, %gt3A : f32
        %select_n3A_139 = arith.select %gt3A_138, %min3A_134, %scan3A_72 : i32
        %jit3A_140 = arith.constant 16 : i32
        %eq3A_141 = arith.constant 0 : i32
        %eq3A_142 = arith.cmpi eq, %jit3A_140, %eq3A_141 : i32
        %jit3A_143 = arith.constant 1 : i32
        %select_n3A_144 = arith.select %eq3A_142, %jit3A_143, %jit3A_140 : i32
        %rem3A_145 = arith.remsi %add3A_75, %select_n3A_144 : i32
        %ne3A_146 = arith.constant 0 : i32
        %ne3A_147 = arith.cmpi ne, %rem3A_145, %ne3A_146 : i32
        %lt3A_148 = arith.constant 0 : i32
        %lt3A_149 = arith.cmpi slt, %rem3A_145, %lt3A_148 : i32
        %lt3A_150 = arith.constant 0 : i32
        %lt3A_151 = arith.cmpi slt, %select_n3A_144, %lt3A_150 : i32
        %ne3A_152 = arith.xori %lt3A_149, %lt3A_151 : i1
        %and3A_153 = arith.andi %ne3A_152, %ne3A_147 : i1
        %add3A_154 = arith.addi %rem3A_145, %select_n3A_144 : i32
        %select_n3A_155 = arith.select %and3A_153, %add3A_154, %rem3A_145 : i32
        %eq3A_156 = vector.broadcast %select_n3A_155 : i32 to vector<16xi32>
        %eq3A_157 = arith.cmpi eq, %iota3A, %eq3A_156 : vector<16xi32>
        %broadcast_in_dim3A_158 = vector.broadcast %select_n3A_139 : i32 to vector<16xi32>
        %select_n3A_159 = arith.select %eq3A_157, %broadcast_in_dim3A_158, %scan3A_73 : vector<16xi1>, vector<16xi32>
        %jit3A_160 = arith.constant 16 : i32
        %eq3A_161 = arith.constant 0 : i32
        %eq3A_162 = arith.cmpi eq, %jit3A_160, %eq3A_161 : i32
        %jit3A_163 = arith.constant 1 : i32
        %select_n3A_164 = arith.select %eq3A_162, %jit3A_163, %jit3A_160 : i32
        %rem3A_165 = arith.remsi %add3A_75, %select_n3A_164 : i32
        %ne3A_166 = arith.constant 0 : i32
        %ne3A_167 = arith.cmpi ne, %rem3A_165, %ne3A_166 : i32
        %lt3A_168 = arith.constant 0 : i32
        %lt3A_169 = arith.cmpi slt, %rem3A_165, %lt3A_168 : i32
        %lt3A_170 = arith.constant 0 : i32
        %lt3A_171 = arith.cmpi slt, %select_n3A_164, %lt3A_170 : i32
        %ne3A_172 = arith.xori %lt3A_169, %lt3A_171 : i1
        %and3A_173 = arith.andi %ne3A_172, %ne3A_167 : i1
        %add3A_174 = arith.addi %rem3A_165, %select_n3A_164 : i32
        %select_n3A_175 = arith.select %and3A_173, %add3A_174, %rem3A_165 : i32
        %eq3A_176 = arith.constant 15 : i32
        %eq3A_177 = arith.cmpi eq, %select_n3A_175, %eq3A_176 : i32
        %convert_element_type3A_178 = arith.extui %eq3A_177 : i1 to i32
        %cond3A_179 = arith.constant 0 : i32
        %cond3A_180 = arith.cmpi ne, %convert_element_type3A_178, %cond3A_179 : i32
        scf.if %cond3A_180 {
          %sub3A_181 = arith.constant 15 : i32
          %sub3A_182 = arith.subi %add3A_75, %sub3A_181 : i32
          %swap3A = arith.index_cast %sub3A_182 : i32 to index
          %swap3A_183 = tpu.vector_load %arg6[%swap3A] {strides = array<i32>} : memref<576xi32, #tpu.memory_space<vmem>>, vector<16xi32>,
          tpu.vector_store %arg6[%swap3A], %select_n3A_159 {strides = array<i32>} : memref<576xi32, #tpu.memory_space<vmem>>, vector<16xi32>,
        } else {
        }
        scf.yield %select_n3A_139, %select_n3A_159 : i32, vector<16xi32>
      }
      %scan3A_58 = arith.constant 144 : i32
      %mul3A_59 = arith.constant 576 : i32
      %mul3A_60 = arith.muli %add3A, %mul3A_59 : i32
      %add3A_61 = arith.constant 432 : i32
      %add3A_62 = arith.addi %mul3A_60, %add3A_61 : i32
      "tpu.region"() ({
        %run_scoped3A = tpu.sem_alloc : memref<!tpu.dma_semaphore, #tpu.memory_space<semaphore_mem>>
        %dma_start3A = arith.constant 0 : i32
        %dma_start3A_71 = arith.constant 0 : i32
        %dma_start3A_72 = tpu.memref_slice %arg5[%dma_start3A, %dma_start3A_71] : memref<152x768xf32, #tpu.memory_space<vmem>> -> memref<144x768xf32, #tpu.memory_space<vmem>>
        %dma_start3A_73 = tpu.memref_slice %arg2[%add3A_62, %min3A_24] : memref<9216x1152xf32, #tpu.memory_space<hbm>> -> memref<144x768xf32, #tpu.memory_space<hbm>>
        %dma_start3A_74 = arith.constant 0 : i32
        %dma_start3A_75 = arith.constant 0 : i32
        %dma_start3A_76 = tpu.memref_slice %arg5[%dma_start3A_74, %dma_start3A_75] : memref<152x768xf32, #tpu.memory_space<vmem>> -> memref<144x768xf32, #tpu.memory_space<vmem>>
        %dma_start3A_77 = tpu.memref_slice %arg2[%add3A_62, %min3A_24] : memref<9216x1152xf32, #tpu.memory_space<hbm>> -> memref<144x768xf32, #tpu.memory_space<hbm>>
        tpu.enqueue_dma source(%dma_start3A_77 : memref<144x768xf32, #tpu.memory_space<hbm>>) target(%dma_start3A_76 : memref<144x768xf32, #tpu.memory_space<vmem>>) target_semaphore(%run_scoped3A : memref<!tpu.dma_semaphore, #tpu.memory_space<semaphore_mem>>)
        %dma_wait3A = arith.constant 0 : i32
        %dma_wait3A_78 = arith.constant 0 : i32
        %dma_wait3A_79 = tpu.memref_slice %arg5[%dma_wait3A, %dma_wait3A_78] : memref<152x768xf32, #tpu.memory_space<vmem>> -> memref<144x768xf32, #tpu.memory_space<vmem>>
        %dma_wait3A_80 = tpu.memref_slice %arg2[%add3A_62, %min3A_24] : memref<9216x1152xf32, #tpu.memory_space<hbm>> -> memref<144x768xf32, #tpu.memory_space<hbm>>
        %dma_wait3A_81 = arith.constant 0 : i32
        %dma_wait3A_82 = arith.constant 0 : i32
        %dma_wait3A_83 = tpu.memref_slice %arg5[%dma_wait3A_81, %dma_wait3A_82] : memref<152x768xf32, #tpu.memory_space<vmem>> -> memref<144x768xf32, #tpu.memory_space<vmem>>
        %dma_wait3A_84 = tpu.memref_slice %arg2[%add3A_62, %min3A_24] : memref<9216x1152xf32, #tpu.memory_space<hbm>> -> memref<144x768xf32, #tpu.memory_space<hbm>>
        tpu.wait_dma2 semaphore(%run_scoped3A : memref<!tpu.dma_semaphore, #tpu.memory_space<semaphore_mem>>) src(%dma_wait3A_84 : memref<144x768xf32, #tpu.memory_space<hbm>>) dst(%dma_wait3A_83 : memref<144x768xf32, #tpu.memory_space<vmem>>)
        tpu.yield
      }) : () -> ()
      %scan3A_63 = arith.constant 0 : i32
      %scan3A_64 = arith.constant 143 : i32
      %scan3A_65 = arith.addi %scan3A_63, %scan3A_64 : i32
      %scan3A_66 = arith.constant 1 : i32
      %scan3A_67:2 = scf.for %scan3A_71 = %scan3A_63 to %scan3A_65 step %scan3A_66 iter_args(%scan3A_72 = %scan3A_57#0, %scan3A_73 = %scan3A_57#1) -> (i32, vector<16xi32>)  : i32 {
        %add3A_74 = arith.constant 433 : i32
        %add3A_75 = arith.addi %add3A_74, %scan3A_71 : i32
        %add3A_76 = arith.constant 1 : i32
        %add3A_77 = arith.addi %add3A_76, %scan3A_71 : i32
        %sub3A_78 = arith.subi %scan3A_72, %min3A_24 : i32
        %jit3A_79 = arith.constant 16 : i32
        %div3A_80 = arith.divsi %sub3A_78, %jit3A_79 : i32
        %sign3A_81 = arith.constant 0 : i32
        %sign3A_82 = arith.cmpi sgt, %sub3A_78, %sign3A_81 : i32
        %sign3A_83 = arith.extui %sign3A_82 : i1 to i32
        %sign3A_84 = arith.constant 0 : i32
        %sign3A_85 = arith.cmpi slt, %sub3A_78, %sign3A_84 : i32
        %sign3A_86 = arith.extui %sign3A_85 : i1 to i32
        %sign3A_87 = arith.subi %sign3A_83, %sign3A_86 : i32
        %sign3A_88 = arith.constant 0 : i32
        %sign3A_89 = arith.cmpi sgt, %jit3A_79, %sign3A_88 : i32
        %sign3A_90 = arith.extui %sign3A_89 : i1 to i32
        %sign3A_91 = arith.constant 0 : i32
        %sign3A_92 = arith.cmpi slt, %jit3A_79, %sign3A_91 : i32
        %sign3A_93 = arith.extui %sign3A_92 : i1 to i32
        %sign3A_94 = arith.subi %sign3A_90, %sign3A_93 : i32
        %ne3A_95 = arith.cmpi ne, %sign3A_87, %sign3A_94 : i32
        %rem3A_96 = arith.remsi %sub3A_78, %jit3A_79 : i32
        %ne3A_97 = arith.constant 0 : i32
        %ne3A_98 = arith.cmpi ne, %rem3A_96, %ne3A_97 : i32
        %and3A_99 = arith.andi %ne3A_95, %ne3A_98 : i1
        %sub3A_100 = arith.constant 1 : i32
        %sub3A_101 = arith.subi %div3A_80, %sub3A_100 : i32
        %select_n3A_102 = arith.select %and3A_99, %sub3A_101, %div3A_80 : i32
        %mul3A_103 = arith.constant 16 : i32
        %mul3A_104 = arith.muli %select_n3A_102, %mul3A_103 : i32
        %sub3A_105 = arith.subi %sub3A_78, %mul3A_104 : i32
        %get3A_106 = arith.index_cast %add3A_77 : i32 to index
        %get3A_107 = arith.index_cast %mul3A_104 : i32 to index
        %get3A_108 = tpu.vector_load %arg5[%get3A_106, %get3A_107] {strides = array<i32>} : memref<152x768xf32, #tpu.memory_space<vmem>>, vector<16xf32>,
        %add3A_109 = arith.constant 16 : i32
        %add3A_110 = arith.addi %mul3A_104, %add3A_109 : i32
        %get3A_111 = arith.index_cast %add3A_77 : i32 to index
        %get3A_112 = arith.index_cast %add3A_110 : i32 to index
        %get3A_113 = tpu.vector_load %arg5[%get3A_111, %get3A_112] {strides = array<i32>} : memref<152x768xf32, #tpu.memory_space<vmem>>, vector<16xf32>,
        %eq3A_114 = arith.constant 15 : i32
        %eq3A_115 = arith.cmpi eq, %sub3A_105, %eq3A_114 : i32
        %broadcast_in_dim3A_116 = vector.broadcast %eq3A_115 : i1 to vector<16xi1>
        %select_n3A_117 = arith.select %broadcast_in_dim3A_116, %get3A_113, %get3A_108 : vector<16xi1>, vector<16xf32>
        %add3A_118 = arith.constant 1 : i32
        %add3A_119 = arith.addi %sub3A_105, %add3A_118 : i32
        %jit3A_120 = arith.constant 0 : i32
        %select_n3A_121 = arith.select %eq3A_115, %jit3A_120, %add3A_119 : i32
        %broadcast_in_dim3A_122 = arith.constant 0.000000e+00 : f32
        %broadcast_in_dim3A_123 = vector.broadcast %broadcast_in_dim3A_122 : f32 to vector<16xf32>
        %eq3A_124 = vector.broadcast %sub3A_105 : i32 to vector<16xi32>
        %eq3A_125 = arith.cmpi eq, %iota3A, %eq3A_124 : vector<16xi32>
        %select_n3A_126 = arith.select %eq3A_125, %get3A_108, %broadcast_in_dim3A_123 : vector<16xi1>, vector<16xf32>
        %eq3A_127 = vector.broadcast %select_n3A_121 : i32 to vector<16xi32>
        %eq3A_128 = arith.cmpi eq, %iota3A, %eq3A_127 : vector<16xi32>
        %select_n3A_129 = arith.select %eq3A_128, %select_n3A_117, %broadcast_in_dim3A_123 : vector<16xi1>, vector<16xf32>
        %sub3A_130 = arith.subf %select_n3A_126, %select_n3A_129 : vector<16xf32>
        %add3A_131 = arith.constant 1 : i32
        %add3A_132 = arith.addi %scan3A_72, %add3A_131 : i32
        %min3A_133 = arith.constant 1023 : i32
        %min3A_134 = arith.minsi %add3A_132, %min3A_133 : i32
        %reduce_sum3A = arith.constant true
        %reduce_sum3A_135 = vector.broadcast %reduce_sum3A : i1 to vector<16xi1>
        %reduce_sum3A_136 = tpu.scan <sum>, %sub3A_130 masked %reduce_sum3A_135 : vector<16xf32>, vector<16xi1> -> vector<16xf32>
        %reduce_sum3A_137 = vector.extract %reduce_sum3A_136[15] : f32 from vector<16xf32>
        %gt3A = arith.constant 0.000000e+00 : f32
        %gt3A_138 = arith.cmpf ogt, %reduce_sum3A_137, %gt3A : f32
        %select_n3A_139 = arith.select %gt3A_138, %min3A_134, %scan3A_72 : i32
        %jit3A_140 = arith.constant 16 : i32
        %eq3A_141 = arith.constant 0 : i32
        %eq3A_142 = arith.cmpi eq, %jit3A_140, %eq3A_141 : i32
        %jit3A_143 = arith.constant 1 : i32
        %select_n3A_144 = arith.select %eq3A_142, %jit3A_143, %jit3A_140 : i32
        %rem3A_145 = arith.remsi %add3A_75, %select_n3A_144 : i32
        %ne3A_146 = arith.constant 0 : i32
        %ne3A_147 = arith.cmpi ne, %rem3A_145, %ne3A_146 : i32
        %lt3A_148 = arith.constant 0 : i32
        %lt3A_149 = arith.cmpi slt, %rem3A_145, %lt3A_148 : i32
        %lt3A_150 = arith.constant 0 : i32
        %lt3A_151 = arith.cmpi slt, %select_n3A_144, %lt3A_150 : i32
        %ne3A_152 = arith.xori %lt3A_149, %lt3A_151 : i1
        %and3A_153 = arith.andi %ne3A_152, %ne3A_147 : i1
        %add3A_154 = arith.addi %rem3A_145, %select_n3A_144 : i32
        %select_n3A_155 = arith.select %and3A_153, %add3A_154, %rem3A_145 : i32
        %eq3A_156 = vector.broadcast %select_n3A_155 : i32 to vector<16xi32>
        %eq3A_157 = arith.cmpi eq, %iota3A, %eq3A_156 : vector<16xi32>
        %broadcast_in_dim3A_158 = vector.broadcast %select_n3A_139 : i32 to vector<16xi32>
        %select_n3A_159 = arith.select %eq3A_157, %broadcast_in_dim3A_158, %scan3A_73 : vector<16xi1>, vector<16xi32>
        %jit3A_160 = arith.constant 16 : i32
        %eq3A_161 = arith.constant 0 : i32
        %eq3A_162 = arith.cmpi eq, %jit3A_160, %eq3A_161 : i32
        %jit3A_163 = arith.constant 1 : i32
        %select_n3A_164 = arith.select %eq3A_162, %jit3A_163, %jit3A_160 : i32
        %rem3A_165 = arith.remsi %add3A_75, %select_n3A_164 : i32
        %ne3A_166 = arith.constant 0 : i32
        %ne3A_167 = arith.cmpi ne, %rem3A_165, %ne3A_166 : i32
        %lt3A_168 = arith.constant 0 : i32
        %lt3A_169 = arith.cmpi slt, %rem3A_165, %lt3A_168 : i32
        %lt3A_170 = arith.constant 0 : i32
        %lt3A_171 = arith.cmpi slt, %select_n3A_164, %lt3A_170 : i32
        %ne3A_172 = arith.xori %lt3A_169, %lt3A_171 : i1
        %and3A_173 = arith.andi %ne3A_172, %ne3A_167 : i1
        %add3A_174 = arith.addi %rem3A_165, %select_n3A_164 : i32
        %select_n3A_175 = arith.select %and3A_173, %add3A_174, %rem3A_165 : i32
        %eq3A_176 = arith.constant 15 : i32
        %eq3A_177 = arith.cmpi eq, %select_n3A_175, %eq3A_176 : i32
        %convert_element_type3A_178 = arith.extui %eq3A_177 : i1 to i32
        %cond3A_179 = arith.constant 0 : i32
        %cond3A_180 = arith.cmpi ne, %convert_element_type3A_178, %cond3A_179 : i32
        scf.if %cond3A_180 {
          %sub3A_181 = arith.constant 15 : i32
          %sub3A_182 = arith.subi %add3A_75, %sub3A_181 : i32
          %swap3A = arith.index_cast %sub3A_182 : i32 to index
          %swap3A_183 = tpu.vector_load %arg6[%swap3A] {strides = array<i32>} : memref<576xi32, #tpu.memory_space<vmem>>, vector<16xi32>,
          tpu.vector_store %arg6[%swap3A], %select_n3A_159 {strides = array<i32>} : memref<576xi32, #tpu.memory_space<vmem>>, vector<16xi32>,
        } else {
        }
        scf.yield %select_n3A_139, %select_n3A_159 : i32, vector<16xi32>
      }
      %scan3A_68 = arith.constant 143 : i32
      %mul3A_69 = arith.constant 576 : i32
      %mul3A_70 = arith.muli %add3A, %mul3A_69 : i32
      "tpu.region"() ({
        %run_scoped3A = tpu.sem_alloc : memref<!tpu.dma_semaphore, #tpu.memory_space<semaphore_mem>>
        %dma_start3A = tpu.memref_slice %arg4[%mul3A_70] : memref<9216xi32, #tpu.memory_space<hbm>> -> memref<576xi32, #tpu.memory_space<hbm>>
        %dma_start3A_71 = tpu.memref_slice %arg4[%mul3A_70] : memref<9216xi32, #tpu.memory_space<hbm>> -> memref<576xi32, #tpu.memory_space<hbm>>
        tpu.enqueue_dma source(%arg6 : memref<576xi32, #tpu.memory_space<vmem>>) target(%dma_start3A_71 : memref<576xi32, #tpu.memory_space<hbm>>) target_semaphore(%run_scoped3A : memref<!tpu.dma_semaphore, #tpu.memory_space<semaphore_mem>>)
        %dma_wait3A = tpu.memref_slice %arg4[%mul3A_70] : memref<9216xi32, #tpu.memory_space<hbm>> -> memref<576xi32, #tpu.memory_space<hbm>>
        %dma_wait3A_72 = tpu.memref_slice %arg4[%mul3A_70] : memref<9216xi32, #tpu.memory_space<hbm>> -> memref<576xi32, #tpu.memory_space<hbm>>
        tpu.wait_dma2 semaphore(%run_scoped3A : memref<!tpu.dma_semaphore, #tpu.memory_space<semaphore_mem>>) src(%arg6 : memref<576xi32, #tpu.memory_space<vmem>>) dst(%dma_wait3A_72 : memref<576xi32, #tpu.memory_space<hbm>>)
        tpu.yield
      }) : () -> ()
    } else {
    }
    return
  }
}

#map = affine_map<(d0, d1) -> (0, 0)>
#map1 = affine_map<(d0, d1) -> (0)>
module attributes {stable_mosaic.version = 14 : i64} {
  func.func @_gather_body(%arg0: i32, %arg1: i32, %arg2: memref<1025x128xf32, #tpu.memory_space<hbm>>, %arg3: memref<9216xi32, #tpu.memory_space<hbm>>, %arg4: memref<9216xi32, #tpu.memory_space<hbm>>, %arg5: memref<9216xi32, #tpu.memory_space<hbm>>, %arg6: memref<9216x128xf32, #tpu.memory_space<hbm>>, %arg7: memref<9216x128xf32, #tpu.memory_space<hbm>>, %arg8: memref<9216x128xf32, #tpu.memory_space<hbm>>, %arg9: memref<288xi32, #tpu.memory_space<vmem>>, %arg10: memref<288x128xf32, #tpu.memory_space<vmem>>, %arg11: memref<!tpu.dma_semaphore, #tpu.memory_space<semaphore_mem>>) attributes {dimension_semantics = [#tpu.dimension_semantics<core_parallel>, #tpu.dimension_semantics<subcore_parallel>], iteration_bounds = array<i64: 2, 16>, scalar_prefetch = 0 : i64, scratch_operands = 3 : i64, tpu.core_type = #tpu.core_type<sc_vector_subcore>, window_params = [{transform_indices = #map}, {transform_indices = #map1}, {transform_indices = #map1}, {transform_indices = #map1}, {transform_indices = #map}, {transform_indices = #map}, {transform_indices = #map}]} {
    %mul3A = arith.constant 2 : i32
    %mul3A_0 = arith.muli %arg1, %mul3A : i32
    %add3A = arith.addi %mul3A_0, %arg0 : i32
    %mul3A_1 = arith.constant 288 : i32
    %mul3A_2 = arith.muli %add3A, %mul3A_1 : i32
    "tpu.region"() ({
      %run_scoped3A = tpu.sem_alloc : memref<!tpu.dma_semaphore, #tpu.memory_space<semaphore_mem>>
      %dma_start3A_19 = tpu.memref_slice %arg3[%mul3A_2] : memref<9216xi32, #tpu.memory_space<hbm>> -> memref<288xi32, #tpu.memory_space<hbm>>
      %dma_start3A_20 = tpu.memref_slice %arg3[%mul3A_2] : memref<9216xi32, #tpu.memory_space<hbm>> -> memref<288xi32, #tpu.memory_space<hbm>>
      tpu.enqueue_dma source(%dma_start3A_20 : memref<288xi32, #tpu.memory_space<hbm>>) target(%arg9 : memref<288xi32, #tpu.memory_space<vmem>>) target_semaphore(%run_scoped3A : memref<!tpu.dma_semaphore, #tpu.memory_space<semaphore_mem>>)
      %dma_wait3A_21 = tpu.memref_slice %arg3[%mul3A_2] : memref<9216xi32, #tpu.memory_space<hbm>> -> memref<288xi32, #tpu.memory_space<hbm>>
      %dma_wait3A_22 = tpu.memref_slice %arg3[%mul3A_2] : memref<9216xi32, #tpu.memory_space<hbm>> -> memref<288xi32, #tpu.memory_space<hbm>>
      tpu.wait_dma2 semaphore(%run_scoped3A : memref<!tpu.dma_semaphore, #tpu.memory_space<semaphore_mem>>) src(%dma_wait3A_22 : memref<288xi32, #tpu.memory_space<hbm>>) dst(%arg9 : memref<288xi32, #tpu.memory_space<vmem>>)
      tpu.yield
    }) : () -> ()
    %dma_start3A = arith.constant 0 : i32
    %dma_start3A_3 = arith.constant 0 : i32
    %dma_start3A_4 = tpu.memref_slice %arg2[%dma_start3A, %dma_start3A_3] : memref<1025x128xf32, #tpu.memory_space<hbm>> -> memref<1025x128xf32, #tpu.memory_space<hbm>>
    tpu.enqueue_indirect_dma source(%dma_start3A_4 : memref<1025x128xf32, #tpu.memory_space<hbm>>) target(%arg10 : memref<288x128xf32, #tpu.memory_space<vmem>>) offsets(%arg9 : memref<288xi32, #tpu.memory_space<vmem>>) semaphore(%arg11 : memref<!tpu.dma_semaphore, #tpu.memory_space<semaphore_mem>>)
    %dma_wait3A = arith.constant 0 : i32
    %dma_wait3A_5 = arith.constant 0 : i32
    %dma_wait3A_6 = tpu.memref_slice %arg2[%dma_wait3A, %dma_wait3A_5] : memref<1025x128xf32, #tpu.memory_space<hbm>> -> memref<1025x128xf32, #tpu.memory_space<hbm>>
    tpu.wait_indirect_dma semaphore(%arg11 : memref<!tpu.dma_semaphore, #tpu.memory_space<semaphore_mem>>) src(%dma_wait3A_6 : memref<1025x128xf32, #tpu.memory_space<hbm>>) dst(%arg10 : memref<288x128xf32, #tpu.memory_space<vmem>>)
    "tpu.region"() ({
      %run_scoped3A = tpu.sem_alloc : memref<!tpu.dma_semaphore, #tpu.memory_space<semaphore_mem>>
      %dma_start3A_19 = arith.constant 0 : i32
      %dma_start3A_20 = tpu.memref_slice %arg6[%mul3A_2, %dma_start3A_19] : memref<9216x128xf32, #tpu.memory_space<hbm>> -> memref<288x128xf32, #tpu.memory_space<hbm>>
      %dma_start3A_21 = arith.constant 0 : i32
      %dma_start3A_22 = tpu.memref_slice %arg6[%mul3A_2, %dma_start3A_21] : memref<9216x128xf32, #tpu.memory_space<hbm>> -> memref<288x128xf32, #tpu.memory_space<hbm>>
      tpu.enqueue_dma source(%arg10 : memref<288x128xf32, #tpu.memory_space<vmem>>) target(%dma_start3A_22 : memref<288x128xf32, #tpu.memory_space<hbm>>) target_semaphore(%run_scoped3A : memref<!tpu.dma_semaphore, #tpu.memory_space<semaphore_mem>>)
      %dma_wait3A_23 = arith.constant 0 : i32
      %dma_wait3A_24 = tpu.memref_slice %arg6[%mul3A_2, %dma_wait3A_23] : memref<9216x128xf32, #tpu.memory_space<hbm>> -> memref<288x128xf32, #tpu.memory_space<hbm>>
      %dma_wait3A_25 = arith.constant 0 : i32
      %dma_wait3A_26 = tpu.memref_slice %arg6[%mul3A_2, %dma_wait3A_25] : memref<9216x128xf32, #tpu.memory_space<hbm>> -> memref<288x128xf32, #tpu.memory_space<hbm>>
      tpu.wait_dma2 semaphore(%run_scoped3A : memref<!tpu.dma_semaphore, #tpu.memory_space<semaphore_mem>>) src(%arg10 : memref<288x128xf32, #tpu.memory_space<vmem>>) dst(%dma_wait3A_26 : memref<288x128xf32, #tpu.memory_space<hbm>>)
      tpu.yield
    }) : () -> ()
    "tpu.region"() ({
      %run_scoped3A = tpu.sem_alloc : memref<!tpu.dma_semaphore, #tpu.memory_space<semaphore_mem>>
      %dma_start3A_19 = tpu.memref_slice %arg4[%mul3A_2] : memref<9216xi32, #tpu.memory_space<hbm>> -> memref<288xi32, #tpu.memory_space<hbm>>
      %dma_start3A_20 = tpu.memref_slice %arg4[%mul3A_2] : memref<9216xi32, #tpu.memory_space<hbm>> -> memref<288xi32, #tpu.memory_space<hbm>>
      tpu.enqueue_dma source(%dma_start3A_20 : memref<288xi32, #tpu.memory_space<hbm>>) target(%arg9 : memref<288xi32, #tpu.memory_space<vmem>>) target_semaphore(%run_scoped3A : memref<!tpu.dma_semaphore, #tpu.memory_space<semaphore_mem>>)
      %dma_wait3A_21 = tpu.memref_slice %arg4[%mul3A_2] : memref<9216xi32, #tpu.memory_space<hbm>> -> memref<288xi32, #tpu.memory_space<hbm>>
      %dma_wait3A_22 = tpu.memref_slice %arg4[%mul3A_2] : memref<9216xi32, #tpu.memory_space<hbm>> -> memref<288xi32, #tpu.memory_space<hbm>>
      tpu.wait_dma2 semaphore(%run_scoped3A : memref<!tpu.dma_semaphore, #tpu.memory_space<semaphore_mem>>) src(%dma_wait3A_22 : memref<288xi32, #tpu.memory_space<hbm>>) dst(%arg9 : memref<288xi32, #tpu.memory_space<vmem>>)
      tpu.yield
    }) : () -> ()
    %dma_start3A_7 = arith.constant 0 : i32
    %dma_start3A_8 = arith.constant 0 : i32
    %dma_start3A_9 = tpu.memref_slice %arg2[%dma_start3A_7, %dma_start3A_8] : memref<1025x128xf32, #tpu.memory_space<hbm>> -> memref<1025x128xf32, #tpu.memory_space<hbm>>
    tpu.enqueue_indirect_dma source(%dma_start3A_9 : memref<1025x128xf32, #tpu.memory_space<hbm>>) target(%arg10 : memref<288x128xf32, #tpu.memory_space<vmem>>) offsets(%arg9 : memref<288xi32, #tpu.memory_space<vmem>>) semaphore(%arg11 : memref<!tpu.dma_semaphore, #tpu.memory_space<semaphore_mem>>)
    %dma_wait3A_10 = arith.constant 0 : i32
    %dma_wait3A_11 = arith.constant 0 : i32
    %dma_wait3A_12 = tpu.memref_slice %arg2[%dma_wait3A_10, %dma_wait3A_11] : memref<1025x128xf32, #tpu.memory_space<hbm>> -> memref<1025x128xf32, #tpu.memory_space<hbm>>
    tpu.wait_indirect_dma semaphore(%arg11 : memref<!tpu.dma_semaphore, #tpu.memory_space<semaphore_mem>>) src(%dma_wait3A_12 : memref<1025x128xf32, #tpu.memory_space<hbm>>) dst(%arg10 : memref<288x128xf32, #tpu.memory_space<vmem>>)
    "tpu.region"() ({
      %run_scoped3A = tpu.sem_alloc : memref<!tpu.dma_semaphore, #tpu.memory_space<semaphore_mem>>
      %dma_start3A_19 = arith.constant 0 : i32
      %dma_start3A_20 = tpu.memref_slice %arg7[%mul3A_2, %dma_start3A_19] : memref<9216x128xf32, #tpu.memory_space<hbm>> -> memref<288x128xf32, #tpu.memory_space<hbm>>
      %dma_start3A_21 = arith.constant 0 : i32
      %dma_start3A_22 = tpu.memref_slice %arg7[%mul3A_2, %dma_start3A_21] : memref<9216x128xf32, #tpu.memory_space<hbm>> -> memref<288x128xf32, #tpu.memory_space<hbm>>
      tpu.enqueue_dma source(%arg10 : memref<288x128xf32, #tpu.memory_space<vmem>>) target(%dma_start3A_22 : memref<288x128xf32, #tpu.memory_space<hbm>>) target_semaphore(%run_scoped3A : memref<!tpu.dma_semaphore, #tpu.memory_space<semaphore_mem>>)
      %dma_wait3A_23 = arith.constant 0 : i32
      %dma_wait3A_24 = tpu.memref_slice %arg7[%mul3A_2, %dma_wait3A_23] : memref<9216x128xf32, #tpu.memory_space<hbm>> -> memref<288x128xf32, #tpu.memory_space<hbm>>
      %dma_wait3A_25 = arith.constant 0 : i32
      %dma_wait3A_26 = tpu.memref_slice %arg7[%mul3A_2, %dma_wait3A_25] : memref<9216x128xf32, #tpu.memory_space<hbm>> -> memref<288x128xf32, #tpu.memory_space<hbm>>
      tpu.wait_dma2 semaphore(%run_scoped3A : memref<!tpu.dma_semaphore, #tpu.memory_space<semaphore_mem>>) src(%arg10 : memref<288x128xf32, #tpu.memory_space<vmem>>) dst(%dma_wait3A_26 : memref<288x128xf32, #tpu.memory_space<hbm>>)
      tpu.yield
    }) : () -> ()
    "tpu.region"() ({
      %run_scoped3A = tpu.sem_alloc : memref<!tpu.dma_semaphore, #tpu.memory_space<semaphore_mem>>
      %dma_start3A_19 = tpu.memref_slice %arg5[%mul3A_2] : memref<9216xi32, #tpu.memory_space<hbm>> -> memref<288xi32, #tpu.memory_space<hbm>>
      %dma_start3A_20 = tpu.memref_slice %arg5[%mul3A_2] : memref<9216xi32, #tpu.memory_space<hbm>> -> memref<288xi32, #tpu.memory_space<hbm>>
      tpu.enqueue_dma source(%dma_start3A_20 : memref<288xi32, #tpu.memory_space<hbm>>) target(%arg9 : memref<288xi32, #tpu.memory_space<vmem>>) target_semaphore(%run_scoped3A : memref<!tpu.dma_semaphore, #tpu.memory_space<semaphore_mem>>)
      %dma_wait3A_21 = tpu.memref_slice %arg5[%mul3A_2] : memref<9216xi32, #tpu.memory_space<hbm>> -> memref<288xi32, #tpu.memory_space<hbm>>
      %dma_wait3A_22 = tpu.memref_slice %arg5[%mul3A_2] : memref<9216xi32, #tpu.memory_space<hbm>> -> memref<288xi32, #tpu.memory_space<hbm>>
      tpu.wait_dma2 semaphore(%run_scoped3A : memref<!tpu.dma_semaphore, #tpu.memory_space<semaphore_mem>>) src(%dma_wait3A_22 : memref<288xi32, #tpu.memory_space<hbm>>) dst(%arg9 : memref<288xi32, #tpu.memory_space<vmem>>)
      tpu.yield
    }) : () -> ()
    %dma_start3A_13 = arith.constant 0 : i32
    %dma_start3A_14 = arith.constant 0 : i32
    %dma_start3A_15 = tpu.memref_slice %arg2[%dma_start3A_13, %dma_start3A_14] : memref<1025x128xf32, #tpu.memory_space<hbm>> -> memref<1025x128xf32, #tpu.memory_space<hbm>>
    tpu.enqueue_indirect_dma source(%dma_start3A_15 : memref<1025x128xf32, #tpu.memory_space<hbm>>) target(%arg10 : memref<288x128xf32, #tpu.memory_space<vmem>>) offsets(%arg9 : memref<288xi32, #tpu.memory_space<vmem>>) semaphore(%arg11 : memref<!tpu.dma_semaphore, #tpu.memory_space<semaphore_mem>>)
    %dma_wait3A_16 = arith.constant 0 : i32
    %dma_wait3A_17 = arith.constant 0 : i32
    %dma_wait3A_18 = tpu.memref_slice %arg2[%dma_wait3A_16, %dma_wait3A_17] : memref<1025x128xf32, #tpu.memory_space<hbm>> -> memref<1025x128xf32, #tpu.memory_space<hbm>>
    tpu.wait_indirect_dma semaphore(%arg11 : memref<!tpu.dma_semaphore, #tpu.memory_space<semaphore_mem>>) src(%dma_wait3A_18 : memref<1025x128xf32, #tpu.memory_space<hbm>>) dst(%arg10 : memref<288x128xf32, #tpu.memory_space<vmem>>)
    "tpu.region"() ({
      %run_scoped3A = tpu.sem_alloc : memref<!tpu.dma_semaphore, #tpu.memory_space<semaphore_mem>>
      %dma_start3A_19 = arith.constant 0 : i32
      %dma_start3A_20 = tpu.memref_slice %arg8[%mul3A_2, %dma_start3A_19] : memref<9216x128xf32, #tpu.memory_space<hbm>> -> memref<288x128xf32, #tpu.memory_space<hbm>>
      %dma_start3A_21 = arith.constant 0 : i32
      %dma_start3A_22 = tpu.memref_slice %arg8[%mul3A_2, %dma_start3A_21] : memref<9216x128xf32, #tpu.memory_space<hbm>> -> memref<288x128xf32, #tpu.memory_space<hbm>>
      tpu.enqueue_dma source(%arg10 : memref<288x128xf32, #tpu.memory_space<vmem>>) target(%dma_start3A_22 : memref<288x128xf32, #tpu.memory_space<hbm>>) target_semaphore(%run_scoped3A : memref<!tpu.dma_semaphore, #tpu.memory_space<semaphore_mem>>)
      %dma_wait3A_23 = arith.constant 0 : i32
      %dma_wait3A_24 = tpu.memref_slice %arg8[%mul3A_2, %dma_wait3A_23] : memref<9216x128xf32, #tpu.memory_space<hbm>> -> memref<288x128xf32, #tpu.memory_space<hbm>>
      %dma_wait3A_25 = arith.constant 0 : i32
      %dma_wait3A_26 = tpu.memref_slice %arg8[%mul3A_2, %dma_wait3A_25] : memref<9216x128xf32, #tpu.memory_space<hbm>> -> memref<288x128xf32, #tpu.memory_space<hbm>>
      tpu.wait_dma2 semaphore(%run_scoped3A : memref<!tpu.dma_semaphore, #tpu.memory_space<semaphore_mem>>) src(%arg10 : memref<288x128xf32, #tpu.memory_space<vmem>>) dst(%dma_wait3A_26 : memref<288x128xf32, #tpu.memory_space<hbm>>)
      tpu.yield
    }) : () -> ()
    return
  }
}

module attributes {stable_mosaic.version = 14 : i64} {
  func.func @_dist_kernel(%arg0: i32, %arg1: memref<128x64xf32, #tpu.memory_space<vmem>>, %arg2: memref<1152x64xf32, #tpu.memory_space<vmem>>, %arg3: memref<128x1152xf32, #tpu.memory_space<vmem>>, %arg4: memref<1x1x128xi32, #tpu.memory_space<vmem>>) attributes {dimension_semantics = [#tpu.dimension_semantics<arbitrary>], iteration_bounds = array<i64: 72>, scalar_prefetch = 0 : i64, scratch_operands = 0 : i64, tpu.core_type = #tpu.core_type<tc>, window_params = [{transform_indices = @transform_0, window_bounds = array<i64: 128, 64>}, {pipeline_mode = #tpu.pipeline_mode<synchronous>, transform_indices = @transform_1, window_bounds = array<i64: 1152, 64>}, {transform_indices = @transform_2, window_bounds = array<i64: 128, 1152>}, {transform_indices = @transform_3, window_bounds = array<i64: 1, 1, 128>}]} {
    %get3A = arith.constant 0 : index
    %get3A_0 = arith.constant 0 : index
    %get3A_1 = vector.load %arg1[%get3A, %get3A_0] : memref<128x64xf32, #tpu.memory_space<vmem>>, vector<128x64xf32>
    %get3A_2 = arith.constant 0 : index
    %get3A_3 = arith.constant 0 : index
    %get3A_4 = vector.load %arg2[%get3A_2, %get3A_3] : memref<1152x64xf32, #tpu.memory_space<vmem>>, vector<1152x64xf32>
    %mul3A = arith.mulf %get3A_1, %get3A_1 : vector<128x64xf32>
    %reduce_sum3A = arith.constant dense<0.000000e+00> : vector<128xf32>
    %reduce_sum3A_5 = vector.multi_reduction <add>, %mul3A, %reduce_sum3A [1] : vector<128x64xf32> to vector<128xf32>
    %broadcast_in_dim3A = vector.shape_cast %reduce_sum3A_5 : vector<128xf32> to vector<128x1xf32>
    %mul3A_6 = arith.mulf %get3A_4, %get3A_4 : vector<1152x64xf32>
    %reduce_sum3A_7 = arith.constant dense<0.000000e+00> : vector<1152xf32>
    %reduce_sum3A_8 = vector.multi_reduction <add>, %mul3A_6, %reduce_sum3A_7 [1] : vector<1152x64xf32> to vector<1152xf32>
    %iota3A = tpu.iota {dimensions = array<i32: 1>} : vector<128x1152xi32>
    %slice3A = vector.extract_strided_slice %iota3A {offsets = [0, 0], sizes = [1, 1152], strides = [1, 1]} : vector<128x1152xi32> to vector<1x1152xi32>
    %ge3A = arith.constant 1025 : i32
    %ge3A_9 = vector.broadcast %ge3A : i32 to vector<1x1152xi32>
    %ge3A_10 = arith.cmpi sge, %slice3A, %ge3A_9 : vector<1x1152xi32>
    %broadcast_in_dim3A_11 = vector.shape_cast %reduce_sum3A_8 : vector<1152xf32> to vector<1x1152xf32>
    %jit3A = arith.constant 0x7F800000 : f32
    %broadcast_in_dim3A_12 = vector.broadcast %jit3A : f32 to vector<1x1152xf32>
    %select_n3A = arith.select %ge3A_10, %broadcast_in_dim3A_12, %broadcast_in_dim3A_11 : vector<1x1152xi1>, vector<1x1152xf32>
    %dot_general3A = arith.constant dense<0.000000e+00> : vector<128x1152xf32>
    %dot_general3A_13 = tpu.matmul %get3A_1, %get3A_4, %dot_general3A {dimension_numbers = #tpu.dot_dimension_numbers<[1], [1], [0], [0], [0, 0, 1, 0], [], []>, transpose_lhs_hint = false} : vector<128x64xf32>, vector<1152x64xf32>, vector<128x1152xf32> -> vector<128x1152xf32>
    %add3A = vector.broadcast %broadcast_in_dim3A : vector<128x1xf32> to vector<128x1152xf32>
    %add3A_14 = vector.broadcast %select_n3A : vector<1x1152xf32> to vector<128x1152xf32>
    %add3A_15 = arith.addf %add3A, %add3A_14 : vector<128x1152xf32>
    %mul3A_16 = arith.constant 2.000000e+00 : f32
    %mul3A_17 = vector.broadcast %mul3A_16 : f32 to vector<128x1152xf32>
    %mul3A_18 = arith.mulf %mul3A_17, %dot_general3A_13 : vector<128x1152xf32>
    %sub3A = arith.subf %add3A_15, %mul3A_18 : vector<128x1152xf32>
    %swap3A = arith.constant 0 : index
    %swap3A_19 = arith.constant 0 : index
    %swap3A_20 = vector.load %arg3[%swap3A, %swap3A_19] : memref<128x1152xf32, #tpu.memory_space<vmem>>, vector<128x1152xf32>
    tpu.vector_store %arg3[%swap3A, %swap3A_19], %sub3A {strides = array<i32>} : memref<128x1152xf32, #tpu.memory_space<vmem>>, vector<128x1152xf32>,
    %reduce_min3A = arith.constant dense<0x7F800000> : vector<128xf32>
    %reduce_min3A_21 = vector.multi_reduction <minimumf>, %sub3A, %reduce_min3A [1] : vector<128x1152xf32> to vector<128xf32>
    %broadcast_in_dim3A_22 = vector.shape_cast %reduce_min3A_21 : vector<128xf32> to vector<128x1xf32>
    %eq3A = vector.broadcast %broadcast_in_dim3A_22 : vector<128x1xf32> to vector<128x1152xf32>
    %eq3A_23 = arith.cmpf oeq, %sub3A, %eq3A : vector<128x1152xf32>
    %jit3A_24 = arith.constant 1073741824 : i32
    %broadcast_in_dim3A_25 = vector.broadcast %jit3A_24 : i32 to vector<128x1152xi32>
    %select_n3A_26 = arith.select %eq3A_23, %iota3A, %broadcast_in_dim3A_25 : vector<128x1152xi1>, vector<128x1152xi32>
    %reduce_min3A_27 = arith.constant dense<2147483647> : vector<128xi32>
    %reduce_min3A_28 = vector.multi_reduction <minsi>, %select_n3A_26, %reduce_min3A_27 [1] : vector<128x1152xi32> to vector<128xi32>
    %reshape3A = vector.shape_cast %reduce_min3A_28 : vector<128xi32> to vector<1x1x128xi32>
    %swap3A_29 = arith.constant 0 : index
    %swap3A_30 = arith.constant 0 : index
    %swap3A_31 = arith.constant 0 : index
    %swap3A_32 = vector.load %arg4[%swap3A_29, %swap3A_30, %swap3A_31] : memref<1x1x128xi32, #tpu.memory_space<vmem>>, vector<1x1x128xi32>
    tpu.vector_store %arg4[%swap3A_29, %swap3A_30, %swap3A_31], %reshape3A {strides = array<i32>} : memref<1x1x128xi32, #tpu.memory_space<vmem>>, vector<1x1x128xi32>,
    return
  }
  func.func @transform_0(%arg0: i32) -> (i32, i32) {
    %c0_i32 = arith.constant 0 : i32
    %c0_i32_0 = arith.constant 0 : i32
    return %arg0, %c0_i32 : i32, i32
  }
  func.func @transform_1(%arg0: i32) -> (i32, i32) {
    %c0_i32 = arith.constant 0 : i32
    %c0_i32_0 = arith.constant 0 : i32
    %c0_i32_1 = arith.constant 0 : i32
    return %c0_i32, %c0_i32_0 : i32, i32
  }
  func.func @transform_2(%arg0: i32) -> (i32, i32) {
    %c0_i32 = arith.constant 0 : i32
    %c0_i32_0 = arith.constant 0 : i32
    return %arg0, %c0_i32 : i32, i32
  }
  func.func @transform_3(%arg0: i32) -> (i32, i32, i32) {
    %c0_i32 = arith.constant 0 : i32
    %c0_i32_0 = arith.constant 0 : i32
    %c0_i32_1 = arith.constant 0 : i32
    return %arg0, %c0_i32, %c0_i32_0 : i32, i32, i32
  }
}

</mosaic_0001>

<sc_bundles>
// kernel: _pallas_pipeline.5.cloned.1.call-start
scs
__scs_entry_jumppad:
0x0: {  	(pc) =	sbr.rel $0x88, $3  }
0x1: {  	(tag) =	ssettag $0x0;
	lr =	simm.s32 $0x1  }
0x2: {  	[smem:$0x3F9E] =	sst lr;
	_ =	strace $0xD0000000  }
0x3: {  	_ = 	snop  }
0x4: {  	_ = 	snop  }
0x5: {  	_ = 	snop  }
0x6: {  	_ = 	snop  }
0x7: {  	_ = 	snop  }
__scs_overlays_trampoline_lowered:
0x8: {  	[smem:$0x3FAD] =	sst s0  }
0x9: {  	[smem:$0x3FAE] =	sst s1  }
0xa: {  	[smem:$0x3FAF] =	sst s2  }
0xb: {  	[smem:$0x3FB0] =	sst s3  }
0xc: {  	[smem:$0x3FB1] =	sst s4  }
0xd: {  	[smem:$0x3FB2] =	sst s5  }
0xe: {  	[smem:$0x3FB3] =	sst s6  }
0xf: {  	[smem:$0x3FB4] =	sst s7  }
0x10: {  	[smem:$0x3FB5] =	sst s8  }
0x11: {  	[smem:$0x3FB6] =	sst s9;
	s0 =	simm.s32 @!p0 $0x0  }
0x12: {  	s1 =	sld [smem:$0x3F9C];
	s0 =	simm.s32 @p0 $0x1  }
0x13: {  	[smem:$0x3FB7] =	sst s0;
	s0 =	simm.s32 @!p1 $0x0  }
0x14: {  	s2 =	sld [smem:$0x3F9B];
	s0 =	simm.s32 @p1 $0x1  }
0x15: {  	[smem:$0x3FB8] =	sst s0;
	s0 =	simm.s32 @!p2 $0x0  }
0x16: {  	s3 =	sld [smem:$0x3FDB];
	s0 =	simm.s32 @p2 $0x1  }
0x17: {  	s4 =	simm.s32 $0x1BF5;
	[smem:$0x3FBA] =	sst s0  }
0x18: {  	s0 =	sld [smem:$0x3F9D];
	_ =	swait.ge [sflag:s4], $0x0  }
0x19: {  	s7 =	sld [smem:$0x3F9E]  }
0x1a: {  	s8 =	sadd.s32 $0xFFFFE003, lr  }
0x1b: {  	s9 =	sadd.s32 $0xFFFFFEF7, lr;
	s5 =	simm.s32 $0xFFFFFFFF;
	p2 =	slt.u32 s8, $0xFFFFF086  }
0x1c: {  	p1 =	slt.u32 s9, $0xF7A;
	s5 =	simm.s32 @!p2 $0x0  }
0x1d: {  	s5 =	simm.s32 @p1 $0x1;
	p0 =	seq.s32 s7, s2  }
0x1e: {  	s7 =	smul.u32 @!p0 $0xF7A, s2;
	p2 =	seq.s32 @!p0 s5, $0x0  }
0x1f: {  	s9 =	smul.u32 $0xF7A, s1;
	s8 =	simm.s32 @!p0 $0x1BF5;
	p2 =	por !p2, p0  }
0x20: {  	[sflag:s8] =	ssyncset.s32 @!p0 $0xFFFFF086;
	s6 =	sadd.s32 @!p0 s3, s7;
	s7 =	simm.s32 @!p0 $0x108  }
0x21: {  	s3 =	sadd.s32 s3, s9;
	s6 =	sadd.s32 @!p0 $0x88, s6;
	s7 =	simm.s32 @p2 $0x1082  }
0x22: {  	[simem:s7], [sflag:s8] =	dma.local @!p0 [hbm:s6], $0xF7A  }
0x23: {  	s9 =	sor.u32 $0xD0000000, s2;
	s6 =	simm.s32 $0x108;
	_ =	swait.ge @!p0 [sflag:s8], $0x0  }
0x24: {  	s3 =	sadd.s32 $0x88, s3;
	s6 =	simm.s32 @!p1 $0x1082;
	[sflag:s4] =	ssyncset.s32 $0xFFFFF086  }
0x25: {  	[simem:s6], [sflag:s4] =	dma.local [hbm:s3], $0xF7A  }
0x26: {  	[smem:$0x3F9E] =	sst s1;
	(tag) =	ssettag s2;
	_ =	strace s9  }
0x27: {  	s1 =	sld [smem:$0x3FAE]  }
0x28: {  	s2 =	sld [smem:$0x3FAF]  }
0x29: {  	s4 =	sld [smem:$0x3FB1]  }
0x2a: {  	p0 =	seq.s32 s5, $0x0;
	s5 =	sld [smem:$0x3FB2]  }
0x2b: {  	s6 =	sld [smem:$0x3FB3]  }
0x2c: {  	s7 =	sld [smem:$0x3FB4]  }
0x2d: {  	s3 =	simm.s32 $0x108;
	s8 =	sld [smem:$0x3FB5]  }
0x2e: {  	s3 =	simm.s32 @!p0 $0x1082;
	s9 =	sld [smem:$0x3FB6]  }
0x2f: {  	lr =	sadd.s32 s0, s3;
	s0 =	sld [smem:$0x3FAD]  }
0x30: {  	s3 =	sld [smem:$0x3FB0]  }
0x31: {  	[smem:$0x3FB9] =	sst s10  }
0x32: {  	s10 =	sld [smem:$0x3FB7];
	_ =	sdelay $0x3  }
0x33: {  	p0 =	seq.s32 s10, $0x1;
	s10 =	sld [smem:$0x3FB9];
	_ =	sdelay $0x3  }
0x34: {  	[smem:$0x3FB9] =	sst s10  }
0x35: {  	s10 =	sld [smem:$0x3FB8];
	_ =	sdelay $0x3  }
0x36: {  	p1 =	seq.s32 s10, $0x1;
	s10 =	sld [smem:$0x3FB9];
	_ =	sdelay $0x3  }
0x37: {  	[smem:$0x3FB9] =	sst s10  }
0x38: {  	s10 =	sld [smem:$0x3FBA]  }
0x39: {  	_ = 	snop;
	(pc) =	sbr.ind lr, $3  }
0x3a: {  	_ = 	snop  }
0x3b: {  	_ = 	snop  }
0x3c: {  	p2 =	seq.s32 s10, $0x1;
	s10 =	sld [smem:$0x3FB9]  }
0x3d: {  	_ =	shalt  }
0x3e: {  	_ =	shalt  }
0x3f: {  	_ =	shalt  }
0x40: {  	_ =	shalt  }
0x41: {  	_ =	shalt  }
0x42: {  	_ =	shalt  }
0x43: {  	_ =	shalt  }
0x44: {  	_ =	shalt  }
0x45: {  	_ =	shalt  }
0x46: {  	_ =	shalt  }
0x47: {  	_ =	shalt  }
0x48: {  	_ =	shalt  }
0x49: {  	_ =	shalt  }
0x4a: {  	_ =	shalt  }
0x4b: {  	_ =	shalt  }
0x4c: {  	_ =	shalt  }
0x4d: {  	_ =	shalt  }
0x4e: {  	_ =	shalt  }
0x4f: {  	_ =	shalt  }
0x50: {  	_ =	shalt  }
0x51: {  	_ =	shalt  }
0x52: {  	_ =	shalt  }
0x53: {  	_ =	shalt  }
0x54: {  	_ =	shalt  }
0x55: {  	_ =	shalt  }
0x56: {  	_ =	shalt  }
0x57: {  	_ =	shalt  }
0x58: {  	_ =	shalt  }
0x59: {  	_ =	shalt  }
0x5a: {  	_ =	shalt  }
0x5b: {  	_ =	shalt  }
0x5c: {  	_ =	shalt  }
0x5d: {  	_ =	shalt  }
0x5e: {  	_ =	shalt  }
0x5f: {  	_ =	shalt  }
0x60: {  	_ =	shalt  }
0x61: {  	_ =	shalt  }
0x62: {  	_ =	shalt  }
0x63: {  	_ =	shalt  }
0x64: {  	_ =	shalt  }
0x65: {  	_ =	shalt  }
0x66: {  	_ =	shalt  }
0x67: {  	_ =	shalt  }
0x68: {  	_ =	shalt  }
0x69: {  	_ =	shalt  }
0x6a: {  	_ =	shalt  }
0x6b: {  	_ =	shalt  }
0x6c: {  	_ =	shalt  }
0x6d: {  	_ =	shalt  }
0x6e: {  	_ =	shalt  }
0x6f: {  	_ =	shalt  }
0x70: {  	_ =	shalt  }
0x71: {  	_ =	shalt  }
0x72: {  	_ =	shalt  }
0x73: {  	_ =	shalt  }
0x74: {  	_ =	shalt  }
0x75: {  	_ =	shalt  }
0x76: {  	_ =	shalt  }
0x77: {  	_ =	shalt  }
0x78: {  	_ =	shalt  }
0x79: {  	_ =	shalt  }
0x7a: {  	_ =	shalt  }
0x7b: {  	_ =	shalt  }
0x7c: {  	_ =	shalt  }
0x7d: {  	_ =	shalt  }
0x7e: {  	_ =	shalt  }
0x7f: {  	_ =	shalt  }
0x80: {  	_ =	shalt  }
0x81: {  	_ =	shalt  }
0x82: {  	_ =	shalt  }
0x83: {  	_ =	shalt  }
0x84: {  	_ =	shalt  }
0x85: {  	_ =	shalt  }
0x86: {  	_ =	shalt  }
0x87: {  	_ =	shalt  }
.Lfunc_end0:
.L_simem_size_0:
called_computation_lowered:
.L_overlay_start_0:
0x88: {  	s2 =	sld [smem:$0x3FD9]  }
0x89: {  	s3 =	sld [smem:$0x3FFE];
	_ =	sdelay $0x1  }
0x8a: {  	s1 =	srdreg.scid  }
0x8b: {  	s0 =	sand.u32 $0x1, s1  }
0x8c: {  	s14 =	sshll.u32 s0, $0xA;
	s2 =	sadd.s32 s3, s2  }
0x8d: {  	s2 =	sadd.s32 s2, s14  }
0x8e: {  	[smem:$0x3FC5] =	sst s2  }
0x8f: {  	_ = 	snop  }
0x90: {  	s2 =	sld [smem:$0x3FD0];
	_ =	sdelay $0x2  }
0x91: {  	s15 =	simm.s32 $0xA;
	s4 =	simm.s32 $0x10  }
0x92: {  	[smem:s4], [sflag:s15] =	dma.local [hbm:s2], $0x1  }
0x93: {  	_ =	swait.eq [sflag:s15], $0x1  }
0x94: {  	[sflag:s15] =	ssyncset.done $0x0  }
0x95: {  	s16 =	sld [smem:$0x10];
	[sflag:s15] =	ssyncadd.s32 $0xFFFFFFFF  }
0x96: {  	s17 =	sld [smem:$0x13];
	(tm) =	ssettm $0x1  }
0x97: {  	s18 =	sld [smem:$0x3FFB];
	_ =	sdelay $0x3  }
0x98: {  	_ =	strace s18  }
0x99: {  	s4 =	sld [smem:$0x3FFC];
	_ =	sdelay $0x3  }
0x9a: {  	_ =	strace s4  }
0x9b: {  	s4 =	sld [smem:$0x3FFD];
	_ =	sdelay $0x3  }
0x9c: {  	_ =	strace s4  }
0x9d: {  	_ =	strace $0x8FFFFFFF  }
0x9e: {  	s19 =	sld [smem:$0x3FDB];
	_ =	sdelay $0x1  }
0x9f: {  	s5 =	simm.s32 $_scs_section_size  }
0xa0: {  	s6 =	simm.s32 $_size__tile_overlayer_lowered;
	s7 =	simm.s32 $_tile_overlayer_lowered  }
0xa1: {  	s22 =	simm.s32 $0x1BFF;
	s21 =	sshll.u32 s7, $0x1;
	s4 =	sadd.s32 s5, s19  }
0xa2: {  	s8 =	simm.s32 $0x0;
	s20 =	sshll.u32 s6, $0x1;
	s6 =	sadd.s32 s21, s4  }
0xa3: {  	[timem:s8], [sflag:s22] =	dma.local [hbm:s6], s20  }
0xa4: {  	_ =	swait.ge [sflag:s22], s20  }
0xa5: {  	s5 =	ssub.s32 $0x0, s20;
	[sflag:s22] =	ssyncset.done $0x0  }
0xa6: {  	[sflag:s22] =	ssyncadd.s32 s5;
	_ =	sdelay $0x1  }
0xa7: {  	s23 =	simm.s32 $0x1B8B  }
0xa8: {  	_ =	swait.ge [sflag:s23], $0x1  }
0xa9: {  	[sflag:s23] =	ssyncset.done $0x0  }
0xaa: {  	s25 =	simm.s32 $0x1B8E;
	s24 =	sld [smem:$0x3FFE];
	[sflag:s23] =	ssyncadd.s32 $0xFFFFFFFF  }
0xab: {  	s26 =	simm.s32 $execute0_lowered;
	[smem:$0x3FD2] =	sst s25  }
0xac: {  	s6 =	sshll.u32 s26, $0x1;
	_ =	strace $0x80000046;
	[dreg:$0x1] =	wrdreg $0xFFFFFFFF  }
0xad: {  	s28 =	simm.s32 $_size_execute0_lowered;
	s4 =	sadd.s32 s4, s6;
	[dreg:$0x0] =	wrdreg $0x0  }
0xae: {  	s6 =	sshll.u32 s28, $0x1;
	[dreg:$0x2] =	wrdreg s4  }
0xaf: {  	[dreg:$0x3] =	wrdreg s6  }
0xb0: {  	[dreg:$0x4] =	wrdreg $0xC0  }
0xb1: {  	_ =	task [dreg:s8], $0x5FFFF  }
0xb2: {  	[dreg:$0x1] =	wrdreg $0xFFFFFFFF  }
0xb3: {  	[dreg:$0x0] =	wrdreg $0x60  }
0xb4: {  	[dreg:$0x2] =	wrdreg s24  }
0xb5: {  	[dreg:$0x3] =	wrdreg s17  }
0xb6: {  	[dreg:$0x4] =	wrdreg s16  }
0xb7: {  	[dreg:$0x5] =	wrdreg $0x9  }
0xb8: {  	_ =	task.clear_ibuf [dreg:s8], $0x6FFFF;
	_ =	strace $0x90000046  }
0xb9: {  	s29 =	simm.s32 $0x9;
	_ =	strace $0x80000048  }
0xba: {  	_ =	swait.ge [sflag:s29], $0x1  }
0xbb: {  	[sflag:s29] =	ssyncadd.s32 $0xFFFFFFFF  }
0xbc: {  	_ =	strace $0x90000048  }
0xbd: {  	_ =	sfence  }
0xbe: {  	s30 =	sld [smem:$0x0];
	_ =	sdelay $0x2  }
0xbf: {  	s31 =	sshll.u32 s1, $0xD;
	s1 =	sshrl.u32 s1, $0x2  }
0xc0: {  	s3 =	sand.u32 $0x4000, s31;
	s1 =	sadd.s32 s1, s30  }
0xc1: {  	s0 =	sor.u32 s3, s0;
	s1 =	sshll.u32 s1, $0x11  }
0xc2: {  	s0 =	sor.u32 s1, s0  }
0xc3: {  	s0 =	sadd.s32 $0x8F2B, s0  }
0xc4: {  	[sflag:s0] =	ssyncadd.remote.s32 $0x1  }
0xc5: {  	_ =	sfence.sel $0xFFFF  }
0xc6: {  	[dreg:$0x0] =	wrdreg $0xFFFFFFFF;
	(pc) =	sbr.abs _section_cstart, $3  }
0xc7: {  	[dreg:$0x1] =	wrdreg $0xFFFFFFFF  }
0xc8: {  	_ =	task.clear_ibuf [dreg:s8], $0x2FFFF;
	_ =	strace $0x9FFFFFFF  }
0xc9: {  	(tm) =	ssettm $0x7FFFFFFF  }
tec
execute0_lowered:
.L_overlay_start_1:
0x0: {  	(tag) =	ssettag $0x1  }
0x1: {  	s1 =	stileid.u32  }
0x2: {  	p0 =	sgt.u32 s1, $0x7  }
.Ltmp0:
0x3: {  	s3 =	rddreg [dreg:$0x0];
	(pc) =	sbr.rel @p0 .LBB2_11-.Ltmp0, $4  }
0x4: {  	s8 =	rddreg [dreg:$0x1]  }
0x5: {  	s7 =	rddreg [dreg:$0x2];
	s2 =	simm.s32 $0x0  }
0x6: {  	[smem:$0x7FF] =	sst s2  }
0x7: {  	s0 =	rddreg [dreg:$0x3];
	_ =	strace $0x80000047  }
0x8: {  	s4 =	srdreg.scid  }
0x9: {  	s5 =	sshll.u32 s1, $0x1;
	s4 =	sand.u32 $0x1, s4  }
0xa: {  	s9 =	sor.u32 s4, s5  }
0xb: {  	s5 =	smul.u32 $0x240, s9  }
0xc: {  	s13 =	simm.s32 $0x2400;
	s14 =	simm.s32 $0x1C800  }
0xd: {  	s15 =	simm.s32 $0x0;
	s11 =	ssub.s32 $0x2, s4;
	s10 =	sshrl.u32 s5, $0x3  }
0xe: {  	s12 =	sshrl.u32 s11, $0x1;
	s9 =	sshll.u32 s9, $0x1;
	s5 =	smul.u32 $0x480, s10  }
0xf: {  	s11 =	ssub.s32 s11, s12;
	s8 =	sadd.s32 s8, s9;
	s12 =	simm.s32 $0x1800  }
0x10: {  	s9 =	smax.u32 s11, $0x1;
	s11 =	simm.s32 $0x1;
	s6 =	sadd.s32 s5, s3  }
0x11: {  	s7 =	sadd.s32 s7, s10;
	s10 =	simm.s32 $0x1CA80;
	s3 =	sadd.s32 $0xE00, s6  }
0x12: {  	vm0 =	vmmov $0x1;
	v0 =	vlaneseq.u32;
	s4 =	sadd.s32 $0x5F00, s6;
	s5 =	sadd.s32 $0xB000, s6;
	s6 =	sadd.s32 $0x10100, s6  }
.LBB2_2:
0x13: {  	[tilespmem:s10], [sflag:$0x1] =	stream.linear.gather [hbm4b:s8+s2], $0x10, $0x38;
	[tilespmem:$0x1CB00] =	vst v63  }
0x14: {  	_ =	swait.ge [sflag:s11], $0x10  }
0x15: {  	[sflag:s11] =	ssyncset.done $0x0  }
0x16: {  	[sflag:s11] =	ssyncadd.s32 $0xFFFFFFF0  }
0x17: {  	v1 =	vld [tilespmem:$0x1CA80];
	_ =	sdelay $0x4  }
0x18: {  	(v2sf) =	vpush v1, $0x0;
	_ =	sdelay $0xe  }
0x19: {  	s16 =	spop (v2sf)  }
0x1a: {  	s17 =	sand.u32 $0x7F, s16  }
0x1b: {  	s18 =	sshra.s32 s16, $0x1F;
	p0 =	slt.s32 s16, $0x1;
	p1 =	sne.s32 s17, $0x0  }
0x1c: {  	s24 =	sshrl.u32 s18, $0x19;
	p0 =	por !p0, !p1  }
0x1d: {  	s18 =	simm.s32 $0x1;
	s17 =	sadd.s32 s24, s16;
	p0 =	por !p0, !p0  }
0x1e: {  	s17 =	sshrl.u32 s17, $0x7;
	s18 =	simm.s32 @!p0 $0x0  }
0x1f: {  	s17 =	ssub.s32 s17, s18  }
0x20: {  	s17 =	sshll.u32 s17, $0x7  }
0x21: {  	p0 =	slt.s32 s17, $0x180  }
0x22: {  	s18 =	simm.s32 $0x1;
	s17 =	simm.s32 @!p0 $0x180  }
0x23: {  	s25 =	sadd.s32 s3, s17;
	s19 =	ssub.s32 s16, s17;
	p0 =	sne.s32 s16, s17  }
0x24: {  	[tilespmem:s2], [sflag:$0x1] =	stream.strided.gather [hbm4b:s25+s12], $0x1C800, s13, s12, $0x38;
	[tilespmem:$0x1CB00] =	vst v63  }
0x25: {  	s20 =	sshra.s32 s19, $0x1F;
	s18 =	simm.s32 @!p0 $0x0  }
0x26: {  	s21 =	sand.u32 $0xF, s16;
	s18 =	sor.u32 s18, s20  }
0x27: {  	p6 =	sne.s32 s21, $0x0;
	p5 =	sne.s32 s18, $0x1  }
0x28: {  	s28 =	simm.s32 $0x0;
	s26 =	sshrl.u32 s20, $0x1C;
	p0 =	por !p6, !p5  }
0x29: {  	s20 =	simm.s32 $0x1;
	s18 =	sadd.s32 s26, s19;
	p0 =	por !p0, !p0  }
0x2a: {  	s21 =	smul.u32 $0x6000, s28;
	s18 =	sshra.s32 s18, $0x4;
	s20 =	simm.s32 @!p0 $0x0  }
0x2b: {  	_ =	swait.ge [sflag:s11], $0x1C800;
	s20 =	ssub.s32 s18, s20  }
0x2c: {  	s21 =	sshra.s32 s21, $0x2;
	[sflag:s11] =	ssyncset.done $0x0;
	s22 =	sshll.u32 s20, $0x4  }
0x2d: {  	s18 =	simm.s32 $0x80;
	s20 =	sshll.u32 s20, $0x7;
	s24 =	sadd.s32 $0x10, s22  }
0x2e: {  	s23 =	sand.u32 $0x380, s18;
	s20 =	sand.u32 $0xFFFFFC00, s20;
	s25 =	sshll.u32 s24, $0x3  }
0x2f: {  	s26 =	sand.u32 $0x70, s22;
	s20 =	sadd.s32 s20, s21;
	s25 =	sand.u32 $0xFFFFFC00, s25  }
0x30: {  	s24 =	sand.u32 $0x70, s24;
	s20 =	sor.u32 s26, s20;
	s21 =	sadd.s32 s25, s21  }
0x31: {  	[sflag:s11] =	ssyncadd.s32 $0xFFFE3800;
	s20 =	sor.u32 s23, s20;
	s21 =	sor.u32 s24, s21  }
0x32: {  	v2 =	vld [tilespmem:s20+$0x0];
	s29 =	sor.u32 s23, s21  }
0x33: {  	v3 =	vld [tilespmem:s29+$0x0]  }
0x34: {  	s19 =	ssub.s32 s19, s22  }
0x35: {  	p0 =	seq.s32 s19, $0xF;
	s20 =	sadd.s32 $0x1, s19  }
0x36: {  	s20 =	simm.s32 @p0 $0x0  }
0x37: {  	v4 =	vmov s19;
	v5 =	vmov s20  }
0x38: {  	vm1 =	veq.s32 v4, v0;
	vm2 =	veq.s32 v5, v0;
	v3 =	vpsel p0, v3, v2  }
0x39: {  	v2 =	vnsel vm1, $0x0, v2;
	v3 =	vnsel vm2, $0x0, v3  }
0x3a: {  	v2 =	vsub.f32 v2, v3;
	_ =	sdelay $0x1  }
0x3b: {  	(xrf2) =	vadd.scan.msk.f32 $0xffff, v2;
	_ =	sdelay $0x9  }
0x3c: {  	v2, _, _ =	vpop (xrf2)  }
0x3d: {  	(v2sf) =	vpush v2, $0xF;
	_ =	sdelay $0xe  }
0x3e: {  	s21 =	sadd.s32 $0x1, s16;
	s30 =	spop (v2sf)  }
0x3f: {  	s31 =	sand.u32 $0xF, s11;
	p0 =	slt.s32 s21, $0x3FF;
	p1 =	sgt.f32 s30, $0.0e+00  }
0x40: {  	s19 =	simm.s32 $0x1C7F2;
	s21 =	simm.s32 @!p0 $0x3FF;
	v2 =	vmov s31  }
0x41: {  	v1 =	vnsel vm0, $0x0, v1;
	s20 =	simm.s32 $0x2;
	vm1 =	veq.s32 v2, v0;
	s16 =	smov.u32 @p1 s21;
	p1 =	sne.s32 s31, $0xF  }
.LBB2_3:
0x42: {  	s22 =	ssub.s32 s16, s17;
	p0 =	sne.s32 s16, s17  }
0x43: {  	v1 =	vsel vm1, s16, v1;
	s21 =	smov.u32 s20;
	s20 =	sadd.s32 $0x1, s20;
	s24 =	simm.s32 $0x1  }
0x44: {  	s23 =	sshra.s32 s22, $0x1F;
	s24 =	simm.s32 @!p0 $0x0;
	p0 =	sne.s32 s20, $0x91;
	[tilespmem:s19+$0x0] =	vst @!p1 v1  }
0x45: {  	s25 =	sand.u32 $0xF, s16;
	s24 =	sor.u32 s24, s23  }
0x46: {  	p2 =	sne.s32 s25, $0x0;
	p1 =	sne.s32 s24, $0x1  }
0x47: {  	s23 =	sshrl.u32 s23, $0x1C;
	p1 =	por !p2, !p1  }
0x48: {  	s23 =	sadd.s32 s23, s22;
	s24 =	simm.s32 $0x1;
	p1 =	por !p1, !p1  }
0x49: {  	s23 =	sshra.s32 s23, $0x4;
	s24 =	simm.s32 @!p1 $0x0  }
0x4a: {  	s23 =	ssub.s32 s23, s24;
	s24 =	sshrl.u32 s21, $0x3  }
0x4b: {  	s18 =	sadd.s32 $0x80, s18;
	s25 =	sshll.u32 s23, $0x4;
	s24 =	smul.u32 $0x6000, s24  }
0x4c: {  	s26 =	sand.u32 $0x380, s18;
	s23 =	sshll.u32 s23, $0x7;
	s28 =	sadd.s32 $0x10, s25  }
0x4d: {  	s23 =	sand.u32 $0xFFFFFC00, s23;
	s24 =	sshra.s32 s24, $0x2;
	s29 =	sshll.u32 s28, $0x3  }
0x4e: {  	s30 =	sand.u32 $0x70, s25;
	s23 =	sadd.s32 s23, s24;
	s29 =	sand.u32 $0xFFFFFC00, s29  }
0x4f: {  	s28 =	sand.u32 $0x70, s28;
	s23 =	sor.u32 s30, s23;
	s24 =	sadd.s32 s29, s24  }
0x50: {  	s23 =	sor.u32 s26, s23;
	s24 =	sor.u32 s28, s24  }
0x51: {  	v2 =	vld [tilespmem:s23+$0x0];
	s23 =	sor.u32 s26, s24  }
0x52: {  	v3 =	vld [tilespmem:s23+$0x0]  }
0x53: {  	s22 =	ssub.s32 s22, s25  }
0x54: {  	p1 =	seq.s32 s22, $0xF;
	s23 =	sadd.s32 $0x1, s22  }
0x55: {  	s23 =	simm.s32 @p1 $0x0  }
0x56: {  	v4 =	vmov s22;
	v5 =	vmov s23  }
0x57: {  	vm1 =	veq.s32 v4, v0;
	vm2 =	veq.s32 v5, v0;
	v3 =	vpsel p1, v3, v2  }
0x58: {  	v2 =	vnsel vm1, $0x0, v2;
	v3 =	vnsel vm2, $0x0, v3  }
0x59: {  	v2 =	vsub.f32 v2, v3;
	_ =	sdelay $0x1  }
0x5a: {  	(xrf2) =	vadd.scan.msk.f32 $0xffff, v2;
	_ =	sdelay $0x9  }
0x5b: {  	v2, _, _ =	vpop (xrf2)  }
0x5c: {  	(v2sf) =	vpush v2, $0xF;
	_ =	sdelay $0xd  }
.Ltmp1:
0x5d: {  	(pc) =	sbr.rel @p0 .LBB2_3-.Ltmp1, $4  }
0x5e: {  	s22 =	sadd.s32 $0x1, s16;
	s23 =	spop (v2sf)  }
0x5f: {  	s21 =	sand.u32 $0xF, s21;
	p1 =	slt.s32 s22, $0x3FF;
	p2 =	sgt.f32 s23, $0.0e+00  }
0x60: {  	s22 =	simm.s32 @!p1 $0x3FF;
	v2 =	vmov s21  }
0x61: {  	s19 =	sadd.s32 $0x1, s19;
	p1 =	sne.s32 s21, $0xF;
	vm1 =	veq.s32 v2, v0;
	s16 =	smov.u32 @p2 s22  }
0x62: {  	v1 =	vsel vm1, s16, v1  }
0x63: {  	s18 =	sadd.s32 s17, s4;
	[tilespmem:s19+$0x0] =	vst @!p1 v1  }
0x64: {  	[tilespmem:s2], [sflag:$0x1] =	stream.strided.gather [hbm4b:s18+s12], $0x1C800, s13, s12, $0x38;
	[tilespmem:$0x1CB00] =	vst v63  }
0x65: {  	s31 =	ssub.s32 s16, s17;
	p0 =	sne.s32 s16, s17;
	s18 =	simm.s32 $0x1  }
0x66: {  	s20 =	sshra.s32 s31, $0x1F;
	s18 =	simm.s32 @!p0 $0x0  }
0x67: {  	s21 =	sand.u32 $0xF, s16;
	s18 =	sor.u32 s18, s20  }
0x68: {  	s22 =	simm.s32 $0x0;
	p6 =	sne.s32 s21, $0x0;
	p5 =	sne.s32 s18, $0x1  }
0x69: {  	s21 =	simm.s32 $0x1;
	s29 =	sshrl.u32 s20, $0x1C;
	p0 =	por !p6, !p5  }
0x6a: {  	s20 =	simm.s32 $0x1;
	s18 =	sadd.s32 s29, s31;
	p0 =	por !p0, !p0  }
0x6b: {  	s22 =	smul.u32 $0x6000, s22;
	s18 =	sshra.s32 s18, $0x4;
	s20 =	simm.s32 @!p0 $0x0  }
0x6c: {  	_ =	swait.ge [sflag:s21], $0x1C800;
	s20 =	ssub.s32 s18, s20  }
0x6d: {  	s22 =	sshra.s32 s22, $0x2;
	[sflag:s21] =	ssyncset.done $0x0;
	s23 =	sshll.u32 s20, $0x4  }
0x6e: {  	s18 =	simm.s32 $0x80;
	s20 =	sshll.u32 s20, $0x7;
	s25 =	sadd.s32 $0x10, s23  }
0x6f: {  	s24 =	sand.u32 $0x380, s18;
	s20 =	sand.u32 $0xFFFFFC00, s20;
	s26 =	sshll.u32 s25, $0x3  }
0x70: {  	s28 =	sand.u32 $0x70, s23;
	s20 =	sadd.s32 s20, s22;
	s26 =	sand.u32 $0xFFFFFC00, s26  }
0x71: {  	s25 =	sand.u32 $0x70, s25;
	s20 =	sor.u32 s28, s20;
	s22 =	sadd.s32 s26, s22  }
0x72: {  	[sflag:s21] =	ssyncadd.s32 $0xFFFE3800;
	s20 =	sor.u32 s24, s20;
	s22 =	sor.u32 s25, s22  }
0x73: {  	v2 =	vld [tilespmem:s20+$0x0];
	s30 =	sor.u32 s24, s22  }
0x74: {  	v3 =	vld [tilespmem:s30+$0x0]  }
0x75: {  	s19 =	ssub.s32 s31, s23  }
0x76: {  	p0 =	seq.s32 s19, $0xF;
	s20 =	sadd.s32 $0x1, s19  }
0x77: {  	s20 =	simm.s32 @p0 $0x0  }
0x78: {  	v4 =	vmov s19;
	v5 =	vmov s20  }
0x79: {  	vm1 =	veq.s32 v4, v0;
	vm2 =	veq.s32 v5, v0;
	v3 =	vpsel p0, v3, v2  }
0x7a: {  	v2 =	vnsel vm1, $0x0, v2;
	v3 =	vnsel vm2, $0x0, v3  }
0x7b: {  	v2 =	vsub.f32 v2, v3;
	_ =	sdelay $0x1  }
0x7c: {  	(xrf2) =	vadd.scan.msk.f32 $0xffff, v2;
	_ =	sdelay $0x9  }
0x7d: {  	v2, _, _ =	vpop (xrf2)  }
0x7e: {  	(v2sf) =	vpush v2, $0xF;
	_ =	sdelay $0xe  }
0x7f: {  	s22 =	sadd.s32 $0x1, s16;
	s31 =	spop (v2sf)  }
0x80: {  	s21 =	sand.u32 $0xF, s21;
	p0 =	slt.s32 s22, $0x3FF;
	p1 =	sgt.f32 s31, $0.0e+00  }
0x81: {  	s19 =	simm.s32 $0x1C882;
	s22 =	simm.s32 @!p0 $0x3FF;
	v2 =	vmov s21  }
0x82: {  	s20 =	simm.s32 $0x2;
	vm1 =	veq.s32 v2, v0;
	s16 =	smov.u32 @p1 s22;
	p1 =	sne.s32 s21, $0xF  }
.LBB2_5:
0x83: {  	s22 =	ssub.s32 s16, s17;
	p0 =	sne.s32 s16, s17  }
0x84: {  	v1 =	vsel vm1, s16, v1;
	s21 =	smov.u32 s20;
	s20 =	sadd.s32 $0x1, s20;
	s24 =	simm.s32 $0x1  }
0x85: {  	s23 =	sshra.s32 s22, $0x1F;
	s24 =	simm.s32 @!p0 $0x0;
	p0 =	sne.s32 s20, $0x91;
	[tilespmem:s19+$0x0] =	vst @!p1 v1  }
0x86: {  	s25 =	sand.u32 $0xF, s16;
	s24 =	sor.u32 s24, s23  }
0x87: {  	p2 =	sne.s32 s25, $0x0;
	p1 =	sne.s32 s24, $0x1  }
0x88: {  	s23 =	sshrl.u32 s23, $0x1C;
	p1 =	por !p2, !p1  }
0x89: {  	s23 =	sadd.s32 s23, s22;
	s24 =	simm.s32 $0x1;
	p1 =	por !p1, !p1  }
0x8a: {  	s23 =	sshra.s32 s23, $0x4;
	s24 =	simm.s32 @!p1 $0x0  }
0x8b: {  	s23 =	ssub.s32 s23, s24;
	s24 =	sshrl.u32 s21, $0x3  }
0x8c: {  	s18 =	sadd.s32 $0x80, s18;
	s25 =	sshll.u32 s23, $0x4;
	s24 =	smul.u32 $0x6000, s24  }
0x8d: {  	s26 =	sand.u32 $0x380, s18;
	s23 =	sshll.u32 s23, $0x7;
	s28 =	sadd.s32 $0x10, s25  }
0x8e: {  	s23 =	sand.u32 $0xFFFFFC00, s23;
	s24 =	sshra.s32 s24, $0x2;
	s29 =	sshll.u32 s28, $0x3  }
0x8f: {  	s30 =	sand.u32 $0x70, s25;
	s23 =	sadd.s32 s23, s24;
	s29 =	sand.u32 $0xFFFFFC00, s29  }
0x90: {  	s28 =	sand.u32 $0x70, s28;
	s23 =	sor.u32 s30, s23;
	s24 =	sadd.s32 s29, s24  }
0x91: {  	s23 =	sor.u32 s26, s23;
	s24 =	sor.u32 s28, s24  }
0x92: {  	v2 =	vld [tilespmem:s23+$0x0];
	s23 =	sor.u32 s26, s24  }
0x93: {  	v3 =	vld [tilespmem:s23+$0x0]  }
0x94: {  	s22 =	ssub.s32 s22, s25  }
0x95: {  	p1 =	seq.s32 s22, $0xF;
	s23 =	sadd.s32 $0x1, s22  }
0x96: {  	s23 =	simm.s32 @p1 $0x0  }
0x97: {  	v4 =	vmov s22;
	v5 =	vmov s23  }
0x98: {  	vm1 =	veq.s32 v4, v0;
	vm2 =	veq.s32 v5, v0;
	v3 =	vpsel p1, v3, v2  }
0x99: {  	v2 =	vnsel vm1, $0x0, v2;
	v3 =	vnsel vm2, $0x0, v3  }
0x9a: {  	v2 =	vsub.f32 v2, v3;
	_ =	sdelay $0x1  }
0x9b: {  	(xrf2) =	vadd.scan.msk.f32 $0xffff, v2;
	_ =	sdelay $0x9  }
0x9c: {  	v2, _, _ =	vpop (xrf2)  }
0x9d: {  	(v2sf) =	vpush v2, $0xF;
	_ =	sdelay $0xd  }
.Ltmp2:
0x9e: {  	(pc) =	sbr.rel @p0 .LBB2_5-.Ltmp2, $4  }
0x9f: {  	s22 =	sadd.s32 $0x1, s16;
	s23 =	spop (v2sf)  }
0xa0: {  	s21 =	sand.u32 $0xF, s21;
	p1 =	slt.s32 s22, $0x3FF;
	p2 =	sgt.f32 s23, $0.0e+00  }
0xa1: {  	s22 =	simm.s32 @!p1 $0x3FF;
	v2 =	vmov s21  }
0xa2: {  	s19 =	sadd.s32 $0x1, s19;
	p1 =	sne.s32 s21, $0xF;
	vm1 =	veq.s32 v2, v0;
	s16 =	smov.u32 @p2 s22  }
0xa3: {  	v1 =	vsel vm1, s16, v1  }
0xa4: {  	s18 =	sadd.s32 s17, s5;
	[tilespmem:s19+$0x0] =	vst @!p1 v1  }
0xa5: {  	[tilespmem:s2], [sflag:$0x1] =	stream.strided.gather [hbm4b:s18+s12], $0x1C800, s13, s12, $0x38;
	[tilespmem:$0x1CB00] =	vst v63  }
0xa6: {  	s31 =	ssub.s32 s16, s17;
	p0 =	sne.s32 s16, s17;
	s18 =	simm.s32 $0x1  }
0xa7: {  	s20 =	sshra.s32 s31, $0x1F;
	s18 =	simm.s32 @!p0 $0x0  }
0xa8: {  	s21 =	sand.u32 $0xF, s16;
	s18 =	sor.u32 s18, s20  }
0xa9: {  	s22 =	simm.s32 $0x0;
	p6 =	sne.s32 s21, $0x0;
	p5 =	sne.s32 s18, $0x1  }
0xaa: {  	s21 =	simm.s32 $0x1;
	s29 =	sshrl.u32 s20, $0x1C;
	p0 =	por !p6, !p5  }
0xab: {  	s20 =	simm.s32 $0x1;
	s18 =	sadd.s32 s29, s31;
	p0 =	por !p0, !p0  }
0xac: {  	s22 =	smul.u32 $0x6000, s22;
	s18 =	sshra.s32 s18, $0x4;
	s20 =	simm.s32 @!p0 $0x0  }
0xad: {  	_ =	swait.ge [sflag:s21], $0x1C800;
	s20 =	ssub.s32 s18, s20  }
0xae: {  	s22 =	sshra.s32 s22, $0x2;
	[sflag:s21] =	ssyncset.done $0x0;
	s23 =	sshll.u32 s20, $0x4  }
0xaf: {  	s18 =	simm.s32 $0x80;
	s20 =	sshll.u32 s20, $0x7;
	s25 =	sadd.s32 $0x10, s23  }
0xb0: {  	s24 =	sand.u32 $0x380, s18;
	s20 =	sand.u32 $0xFFFFFC00, s20;
	s26 =	sshll.u32 s25, $0x3  }
0xb1: {  	s28 =	sand.u32 $0x70, s23;
	s20 =	sadd.s32 s20, s22;
	s26 =	sand.u32 $0xFFFFFC00, s26  }
0xb2: {  	s25 =	sand.u32 $0x70, s25;
	s20 =	sor.u32 s28, s20;
	s22 =	sadd.s32 s26, s22  }
0xb3: {  	[sflag:s21] =	ssyncadd.s32 $0xFFFE3800;
	s20 =	sor.u32 s24, s20;
	s22 =	sor.u32 s25, s22  }
0xb4: {  	v2 =	vld [tilespmem:s20+$0x0];
	s30 =	sor.u32 s24, s22  }
0xb5: {  	v3 =	vld [tilespmem:s30+$0x0]  }
0xb6: {  	s19 =	ssub.s32 s31, s23  }
0xb7: {  	p0 =	seq.s32 s19, $0xF;
	s20 =	sadd.s32 $0x1, s19  }
0xb8: {  	s20 =	simm.s32 @p0 $0x0  }
0xb9: {  	v4 =	vmov s19;
	v5 =	vmov s20  }
0xba: {  	vm1 =	veq.s32 v4, v0;
	vm2 =	veq.s32 v5, v0;
	v3 =	vpsel p0, v3, v2  }
0xbb: {  	v2 =	vnsel vm1, $0x0, v2;
	v3 =	vnsel vm2, $0x0, v3  }
0xbc: {  	v2 =	vsub.f32 v2, v3;
	_ =	sdelay $0x1  }
0xbd: {  	(xrf2) =	vadd.scan.msk.f32 $0xffff, v2;
	_ =	sdelay $0x9  }
0xbe: {  	v2, _, _ =	vpop (xrf2)  }
0xbf: {  	(v2sf) =	vpush v2, $0xF;
	_ =	sdelay $0xe  }
0xc0: {  	s22 =	sadd.s32 $0x1, s16;
	s31 =	spop (v2sf)  }
0xc1: {  	s21 =	sand.u32 $0xF, s21;
	p0 =	slt.s32 s22, $0x3FF;
	p1 =	sgt.f32 s31, $0.0e+00  }
0xc2: {  	s19 =	simm.s32 $0x1C912;
	s22 =	simm.s32 @!p0 $0x3FF;
	v2 =	vmov s21  }
0xc3: {  	s20 =	simm.s32 $0x2;
	vm1 =	veq.s32 v2, v0;
	s16 =	smov.u32 @p1 s22;
	p1 =	sne.s32 s21, $0xF  }
.LBB2_7:
0xc4: {  	s22 =	ssub.s32 s16, s17;
	p0 =	sne.s32 s16, s17  }
0xc5: {  	v1 =	vsel vm1, s16, v1;
	s21 =	smov.u32 s20;
	s20 =	sadd.s32 $0x1, s20;
	s24 =	simm.s32 $0x1  }
0xc6: {  	s23 =	sshra.s32 s22, $0x1F;
	s24 =	simm.s32 @!p0 $0x0;
	p0 =	sne.s32 s20, $0x91;
	[tilespmem:s19+$0x0] =	vst @!p1 v1  }
0xc7: {  	s25 =	sand.u32 $0xF, s16;
	s24 =	sor.u32 s24, s23  }
0xc8: {  	p2 =	sne.s32 s25, $0x0;
	p1 =	sne.s32 s24, $0x1  }
0xc9: {  	s23 =	sshrl.u32 s23, $0x1C;
	p1 =	por !p2, !p1  }
0xca: {  	s23 =	sadd.s32 s23, s22;
	s24 =	simm.s32 $0x1;
	p1 =	por !p1, !p1  }
0xcb: {  	s23 =	sshra.s32 s23, $0x4;
	s24 =	simm.s32 @!p1 $0x0  }
0xcc: {  	s23 =	ssub.s32 s23, s24;
	s24 =	sshrl.u32 s21, $0x3  }
0xcd: {  	s18 =	sadd.s32 $0x80, s18;
	s25 =	sshll.u32 s23, $0x4;
	s24 =	smul.u32 $0x6000, s24  }
0xce: {  	s26 =	sand.u32 $0x380, s18;
	s23 =	sshll.u32 s23, $0x7;
	s28 =	sadd.s32 $0x10, s25  }
0xcf: {  	s23 =	sand.u32 $0xFFFFFC00, s23;
	s24 =	sshra.s32 s24, $0x2;
	s29 =	sshll.u32 s28, $0x3  }
0xd0: {  	s30 =	sand.u32 $0x70, s25;
	s23 =	sadd.s32 s23, s24;
	s29 =	sand.u32 $0xFFFFFC00, s29  }
0xd1: {  	s28 =	sand.u32 $0x70, s28;
	s23 =	sor.u32 s30, s23;
	s24 =	sadd.s32 s29, s24  }
0xd2: {  	s23 =	sor.u32 s26, s23;
	s24 =	sor.u32 s28, s24  }
0xd3: {  	v2 =	vld [tilespmem:s23+$0x0];
	s23 =	sor.u32 s26, s24  }
0xd4: {  	v3 =	vld [tilespmem:s23+$0x0]  }
0xd5: {  	s22 =	ssub.s32 s22, s25  }
0xd6: {  	p1 =	seq.s32 s22, $0xF;
	s23 =	sadd.s32 $0x1, s22  }
0xd7: {  	s23 =	simm.s32 @p1 $0x0  }
0xd8: {  	v4 =	vmov s22;
	v5 =	vmov s23  }
0xd9: {  	vm1 =	veq.s32 v4, v0;
	vm2 =	veq.s32 v5, v0;
	v3 =	vpsel p1, v3, v2  }
0xda: {  	v2 =	vnsel vm1, $0x0, v2;
	v3 =	vnsel vm2, $0x0, v3  }
0xdb: {  	v2 =	vsub.f32 v2, v3;
	_ =	sdelay $0x1  }
0xdc: {  	(xrf2) =	vadd.scan.msk.f32 $0xffff, v2;
	_ =	sdelay $0x9  }
0xdd: {  	v2, _, _ =	vpop (xrf2)  }
0xde: {  	(v2sf) =	vpush v2, $0xF;
	_ =	sdelay $0xd  }
.Ltmp3:
0xdf: {  	(pc) =	sbr.rel @p0 .LBB2_7-.Ltmp3, $4  }
0xe0: {  	s22 =	sadd.s32 $0x1, s16;
	s23 =	spop (v2sf)  }
0xe1: {  	s21 =	sand.u32 $0xF, s21;
	p1 =	slt.s32 s22, $0x3FF;
	p2 =	sgt.f32 s23, $0.0e+00  }
0xe2: {  	s22 =	simm.s32 @!p1 $0x3FF;
	v2 =	vmov s21  }
0xe3: {  	s19 =	sadd.s32 $0x1, s19;
	p1 =	sne.s32 s21, $0xF;
	vm1 =	veq.s32 v2, v0;
	s16 =	smov.u32 @p2 s22  }
0xe4: {  	v1 =	vsel vm1, s16, v1  }
0xe5: {  	s18 =	sadd.s32 s17, s6;
	[tilespmem:s19+$0x0] =	vst @!p1 v1  }
0xe6: {  	[tilespmem:s2], [sflag:$0x1] =	stream.strided.gather [hbm4b:s18+s12], $0x1B000, s13, s12, $0x38;
	[tilespmem:$0x1CB00] =	vst v63  }
0xe7: {  	s31 =	ssub.s32 s16, s17;
	p0 =	sne.s32 s16, s17;
	s18 =	simm.s32 $0x1  }
0xe8: {  	s20 =	sshra.s32 s31, $0x1F;
	s18 =	simm.s32 @!p0 $0x0  }
0xe9: {  	s21 =	sand.u32 $0xF, s16;
	s18 =	sor.u32 s18, s20  }
0xea: {  	s22 =	simm.s32 $0x0;
	p6 =	sne.s32 s21, $0x0;
	p5 =	sne.s32 s18, $0x1  }
0xeb: {  	s21 =	simm.s32 $0x1;
	s29 =	sshrl.u32 s20, $0x1C;
	p0 =	por !p6, !p5  }
0xec: {  	s20 =	simm.s32 $0x1;
	s18 =	sadd.s32 s29, s31;
	p0 =	por !p0, !p0  }
0xed: {  	s22 =	smul.u32 $0x6000, s22;
	s18 =	sshra.s32 s18, $0x4;
	s20 =	simm.s32 @!p0 $0x0  }
0xee: {  	_ =	swait.ge [sflag:s21], $0x1B000;
	s20 =	ssub.s32 s18, s20  }
0xef: {  	s22 =	sshra.s32 s22, $0x2;
	[sflag:s21] =	ssyncset.done $0x0;
	s23 =	sshll.u32 s20, $0x4  }
0xf0: {  	s18 =	simm.s32 $0x80;
	s20 =	sshll.u32 s20, $0x7;
	s25 =	sadd.s32 $0x10, s23  }
0xf1: {  	s24 =	sand.u32 $0x380, s18;
	s20 =	sand.u32 $0xFFFFFC00, s20;
	s26 =	sshll.u32 s25, $0x3  }
0xf2: {  	s28 =	sand.u32 $0x70, s23;
	s20 =	sadd.s32 s20, s22;
	s26 =	sand.u32 $0xFFFFFC00, s26  }
0xf3: {  	s25 =	sand.u32 $0x70, s25;
	s20 =	sor.u32 s28, s20;
	s22 =	sadd.s32 s26, s22  }
0xf4: {  	[sflag:s21] =	ssyncadd.s32 $0xFFFE5000;
	s20 =	sor.u32 s24, s20;
	s22 =	sor.u32 s25, s22  }
0xf5: {  	v2 =	vld [tilespmem:s20+$0x0];
	s30 =	sor.u32 s24, s22  }
0xf6: {  	v3 =	vld [tilespmem:s30+$0x0]  }
0xf7: {  	s19 =	ssub.s32 s31, s23  }
0xf8: {  	p0 =	seq.s32 s19, $0xF;
	s20 =	sadd.s32 $0x1, s19  }
0xf9: {  	s20 =	simm.s32 @p0 $0x0  }
0xfa: {  	v4 =	vmov s19;
	v5 =	vmov s20  }
0xfb: {  	vm1 =	veq.s32 v4, v0;
	vm2 =	veq.s32 v5, v0;
	v3 =	vpsel p0, v3, v2  }
0xfc: {  	v2 =	vnsel vm1, $0x0, v2;
	v3 =	vnsel vm2, $0x0, v3  }
0xfd: {  	v2 =	vsub.f32 v2, v3;
	_ =	sdelay $0x1  }
0xfe: {  	(xrf2) =	vadd.scan.msk.f32 $0xffff, v2;
	_ =	sdelay $0x9  }
0xff: {  	v2, _, _ =	vpop (xrf2)  }
0x100: {  	(v2sf) =	vpush v2, $0xF;
	_ =	sdelay $0xe  }
0x101: {  	s22 =	sadd.s32 $0x1, s16;
	s31 =	spop (v2sf)  }
0x102: {  	s21 =	sand.u32 $0xF, s21;
	p0 =	slt.s32 s22, $0x3FF;
	p1 =	sgt.f32 s31, $0.0e+00  }
0x103: {  	s19 =	simm.s32 $0x1C9A2;
	s22 =	simm.s32 @!p0 $0x3FF;
	v2 =	vmov s21  }
0x104: {  	s20 =	simm.s32 $0x2;
	vm1 =	veq.s32 v2, v0;
	s16 =	smov.u32 @p1 s22;
	p1 =	sne.s32 s21, $0xF  }
.LBB2_9:
0x105: {  	s22 =	ssub.s32 s16, s17;
	p0 =	sne.s32 s16, s17  }
0x106: {  	v1 =	vsel vm1, s16, v1;
	s21 =	smov.u32 s20;
	s20 =	sadd.s32 $0x1, s20;
	s24 =	simm.s32 $0x1  }
0x107: {  	s23 =	sshra.s32 s22, $0x1F;
	s24 =	simm.s32 @!p0 $0x0;
	p0 =	sne.s32 s20, $0x90;
	[tilespmem:s19+$0x0] =	vst @!p1 v1  }
0x108: {  	s25 =	sand.u32 $0xF, s16;
	s24 =	sor.u32 s24, s23  }
0x109: {  	p2 =	sne.s32 s25, $0x0;
	p1 =	sne.s32 s24, $0x1  }
0x10a: {  	s23 =	sshrl.u32 s23, $0x1C;
	p1 =	por !p2, !p1  }
0x10b: {  	s23 =	sadd.s32 s23, s22;
	s24 =	simm.s32 $0x1;
	p1 =	por !p1, !p1  }
0x10c: {  	s23 =	sshra.s32 s23, $0x4;
	s24 =	simm.s32 @!p1 $0x0  }
0x10d: {  	s23 =	ssub.s32 s23, s24;
	s24 =	sshrl.u32 s21, $0x3  }
0x10e: {  	s18 =	sadd.s32 $0x80, s18;
	s25 =	sshll.u32 s23, $0x4;
	s24 =	smul.u32 $0x6000, s24  }
0x10f: {  	s26 =	sand.u32 $0x380, s18;
	s23 =	sshll.u32 s23, $0x7;
	s28 =	sadd.s32 $0x10, s25  }
0x110: {  	s23 =	sand.u32 $0xFFFFFC00, s23;
	s24 =	sshra.s32 s24, $0x2;
	s29 =	sshll.u32 s28, $0x3  }
0x111: {  	s30 =	sand.u32 $0x70, s25;
	s23 =	sadd.s32 s23, s24;
	s29 =	sand.u32 $0xFFFFFC00, s29  }
0x112: {  	s28 =	sand.u32 $0x70, s28;
	s23 =	sor.u32 s30, s23;
	s24 =	sadd.s32 s29, s24  }
0x113: {  	s23 =	sor.u32 s26, s23;
	s24 =	sor.u32 s28, s24  }
0x114: {  	v2 =	vld [tilespmem:s23+$0x0];
	s23 =	sor.u32 s26, s24  }
0x115: {  	v3 =	vld [tilespmem:s23+$0x0]  }
0x116: {  	s22 =	ssub.s32 s22, s25  }
0x117: {  	p1 =	seq.s32 s22, $0xF;
	s23 =	sadd.s32 $0x1, s22  }
0x118: {  	s23 =	simm.s32 @p1 $0x0  }
0x119: {  	v4 =	vmov s22;
	v5 =	vmov s23  }
0x11a: {  	vm1 =	veq.s32 v4, v0;
	vm2 =	veq.s32 v5, v0;
	v3 =	vpsel p1, v3, v2  }
0x11b: {  	v2 =	vnsel vm1, $0x0, v2;
	v3 =	vnsel vm2, $0x0, v3  }
0x11c: {  	v2 =	vsub.f32 v2, v3;
	_ =	sdelay $0x1  }
0x11d: {  	(xrf2) =	vadd.scan.msk.f32 $0xffff, v2;
	_ =	sdelay $0x9  }
0x11e: {  	v2, _, _ =	vpop (xrf2)  }
0x11f: {  	(v2sf) =	vpush v2, $0xF;
	_ =	sdelay $0xd  }
.Ltmp4:
0x120: {  	(pc) =	sbr.rel @p0 .LBB2_9-.Ltmp4, $4  }
0x121: {  	s22 =	sadd.s32 $0x1, s16;
	s23 =	spop (v2sf)  }
0x122: {  	s21 =	sand.u32 $0xF, s21;
	p1 =	slt.s32 s22, $0x3FF;
	p2 =	sgt.f32 s23, $0.0e+00  }
0x123: {  	s22 =	simm.s32 @!p1 $0x3FF;
	v2 =	vmov s21  }
0x124: {  	s19 =	sadd.s32 $0x1, s19;
	p1 =	sne.s32 s21, $0xF;
	vm1 =	veq.s32 v2, v0;
	s16 =	smov.u32 @p2 s22  }
0x125: {  	s15 =	sadd.s32 $0x1, s15  }
0x126: {  	v1 =	vsel vm1, s16, v1;
	p0 =	sne.s32 s15, s9  }
.Ltmp5:
0x127: {  	[tilespmem:s19+$0x0] =	vst @!p1 v1;
	(pc) =	sbr.rel @p0 .LBB2_2-.Ltmp5, $4  }
0x128: {  	[hbm4b:s7+s2] =	stream.linear.scatter [tilespmem:s14], [sflag:$0x1], $0x240, $0x38;
	[tilespmem:$0x1CB00] =	vst v63  }
0x129: {  	_ =	swait.ge [sflag:s11], $0x240  }
0x12a: {  	[sflag:s11] =	ssyncset.done $0x0  }
0x12b: {  	[sflag:s11] =	ssyncadd.s32 $0xFFFFFDC0  }
.LBB2_11:
0x12c: {  	_ =	sfence.sel $0x180000  }
0x12d: {  	[bflag:$0x0] =	sbarrier.arrive $0xFFFF  }
0x12e: {  	p0 =	sne.s32 s1, $0x0;
	_ =	strace $0x90000047  }
0x12f: {  	s0 =	sadd.s32 @!p0 $0x100000, s0;
	[bflag:$0x2] =	sbarrier.arrive $0xFFFF  }
0x130: {  	[sflag:s0] =	ssyncadd.tile.s32 @!p0 $0x1;
	_ =	shalt  }
.Lfunc_end2:
_tile_overlayer_lowered:
.L_overlay_start_2:
0x131: {  	(tag) =	ssettag $0x2  }
0x132: {  	s0 =	rddreg [dreg:$0x0];
	s2 =	stileid.u32  }
0x133: {  	s1 =	rddreg [dreg:$0x1];
	p0 =	sne.s32 s2, $0x0  }
0x134: {  	s3 =	rddreg [dreg:$0x2];
	[bflag:$0x3] =	sbarrier.arrive $0xFFFF;
	s2 =	simm.s32 @!p0 $0x1C01  }
0x135: {  	[timem:s3], [sflag:s2] =	dma.local @!p0 [hbm:s0], s1  }
0x136: {  	s0 =	simm.s32 @!p0 $0x1  }
0x137: {  	_ =	swait.ge @!p0 [sflag:s0], s1  }
0x138: {  	s1 =	ssub.s32 @!p0 $0x0, s1;
	[sflag:s0] =	ssyncset.done @!p0 $0x0  }
0x139: {  	[sflag:s0] =	ssyncadd.s32 @!p0 s1  }
0x13a: {  	[bflag:$0x3] =	sbarrier.arrive $0xFFFF  }
0x13b: {  	_ =	shalt  }

// kernel: _pallas_pipeline.8.cloned.1.call-start
scs
__scs_entry_jumppad:
0x0: {  	(pc) =	sbr.rel $0x88, $3  }
0x1: {  	(tag) =	ssettag $0x0;
	lr =	simm.s32 $0x1  }
0x2: {  	[smem:$0x3F9E] =	sst lr;
	_ =	strace $0xD0000000  }
0x3: {  	_ = 	snop  }
0x4: {  	_ = 	snop  }
0x5: {  	_ = 	snop  }
0x6: {  	_ = 	snop  }
0x7: {  	_ = 	snop  }
__scs_overlays_trampoline_lowered:
0x8: {  	[smem:$0x3FAD] =	sst s0  }
0x9: {  	[smem:$0x3FAE] =	sst s1  }
0xa: {  	[smem:$0x3FAF] =	sst s2  }
0xb: {  	[smem:$0x3FB0] =	sst s3  }
0xc: {  	[smem:$0x3FB1] =	sst s4  }
0xd: {  	[smem:$0x3FB2] =	sst s5  }
0xe: {  	[smem:$0x3FB3] =	sst s6  }
0xf: {  	[smem:$0x3FB4] =	sst s7  }
0x10: {  	[smem:$0x3FB5] =	sst s8  }
0x11: {  	[smem:$0x3FB6] =	sst s9;
	s0 =	simm.s32 @!p0 $0x0  }
0x12: {  	s1 =	sld [smem:$0x3F9C];
	s0 =	simm.s32 @p0 $0x1  }
0x13: {  	[smem:$0x3FB7] =	sst s0;
	s0 =	simm.s32 @!p1 $0x0  }
0x14: {  	s2 =	sld [smem:$0x3F9B];
	s0 =	simm.s32 @p1 $0x1  }
0x15: {  	[smem:$0x3FB8] =	sst s0;
	s0 =	simm.s32 @!p2 $0x0  }
0x16: {  	s3 =	sld [smem:$0x3FDB];
	s0 =	simm.s32 @p2 $0x1  }
0x17: {  	s4 =	simm.s32 $0x1BF5;
	[smem:$0x3FBA] =	sst s0  }
0x18: {  	s0 =	sld [smem:$0x3F9D];
	_ =	swait.ge [sflag:s4], $0x0  }
0x19: {  	s7 =	sld [smem:$0x3F9E]  }
0x1a: {  	s8 =	sadd.s32 $0xFFFFE003, lr  }
0x1b: {  	s9 =	sadd.s32 $0xFFFFFEF7, lr;
	s5 =	simm.s32 $0xFFFFFFFF;
	p2 =	slt.u32 s8, $0xFFFFF086  }
0x1c: {  	p1 =	slt.u32 s9, $0xF7A;
	s5 =	simm.s32 @!p2 $0x0  }
0x1d: {  	s5 =	simm.s32 @p1 $0x1;
	p0 =	seq.s32 s7, s2  }
0x1e: {  	s7 =	smul.u32 @!p0 $0xF7A, s2;
	p2 =	seq.s32 @!p0 s5, $0x0  }
0x1f: {  	s9 =	smul.u32 $0xF7A, s1;
	s8 =	simm.s32 @!p0 $0x1BF5;
	p2 =	por !p2, p0  }
0x20: {  	[sflag:s8] =	ssyncset.s32 @!p0 $0xFFFFF086;
	s6 =	sadd.s32 @!p0 s3, s7;
	s7 =	simm.s32 @!p0 $0x108  }
0x21: {  	s3 =	sadd.s32 s3, s9;
	s6 =	sadd.s32 @!p0 $0x88, s6;
	s7 =	simm.s32 @p2 $0x1082  }
0x22: {  	[simem:s7], [sflag:s8] =	dma.local @!p0 [hbm:s6], $0xF7A  }
0x23: {  	s9 =	sor.u32 $0xD0000000, s2;
	s6 =	simm.s32 $0x108;
	_ =	swait.ge @!p0 [sflag:s8], $0x0  }
0x24: {  	s3 =	sadd.s32 $0x88, s3;
	s6 =	simm.s32 @!p1 $0x1082;
	[sflag:s4] =	ssyncset.s32 $0xFFFFF086  }
0x25: {  	[simem:s6], [sflag:s4] =	dma.local [hbm:s3], $0xF7A  }
0x26: {  	[smem:$0x3F9E] =	sst s1;
	(tag) =	ssettag s2;
	_ =	strace s9  }
0x27: {  	s1 =	sld [smem:$0x3FAE]  }
0x28: {  	s2 =	sld [smem:$0x3FAF]  }
0x29: {  	s4 =	sld [smem:$0x3FB1]  }
0x2a: {  	p0 =	seq.s32 s5, $0x0;
	s5 =	sld [smem:$0x3FB2]  }
0x2b: {  	s6 =	sld [smem:$0x3FB3]  }
0x2c: {  	s7 =	sld [smem:$0x3FB4]  }
0x2d: {  	s3 =	simm.s32 $0x108;
	s8 =	sld [smem:$0x3FB5]  }
0x2e: {  	s3 =	simm.s32 @!p0 $0x1082;
	s9 =	sld [smem:$0x3FB6]  }
0x2f: {  	lr =	sadd.s32 s0, s3;
	s0 =	sld [smem:$0x3FAD]  }
0x30: {  	s3 =	sld [smem:$0x3FB0]  }
0x31: {  	[smem:$0x3FB9] =	sst s10  }
0x32: {  	s10 =	sld [smem:$0x3FB7];
	_ =	sdelay $0x3  }
0x33: {  	p0 =	seq.s32 s10, $0x1;
	s10 =	sld [smem:$0x3FB9];
	_ =	sdelay $0x3  }
0x34: {  	[smem:$0x3FB9] =	sst s10  }
0x35: {  	s10 =	sld [smem:$0x3FB8];
	_ =	sdelay $0x3  }
0x36: {  	p1 =	seq.s32 s10, $0x1;
	s10 =	sld [smem:$0x3FB9];
	_ =	sdelay $0x3  }
0x37: {  	[smem:$0x3FB9] =	sst s10  }
0x38: {  	s10 =	sld [smem:$0x3FBA]  }
0x39: {  	_ = 	snop;
	(pc) =	sbr.ind lr, $3  }
0x3a: {  	_ = 	snop  }
0x3b: {  	_ = 	snop  }
0x3c: {  	p2 =	seq.s32 s10, $0x1;
	s10 =	sld [smem:$0x3FB9]  }
0x3d: {  	_ =	shalt  }
0x3e: {  	_ =	shalt  }
0x3f: {  	_ =	shalt  }
0x40: {  	_ =	shalt  }
0x41: {  	_ =	shalt  }
0x42: {  	_ =	shalt  }
0x43: {  	_ =	shalt  }
0x44: {  	_ =	shalt  }
0x45: {  	_ =	shalt  }
0x46: {  	_ =	shalt  }
0x47: {  	_ =	shalt  }
0x48: {  	_ =	shalt  }
0x49: {  	_ =	shalt  }
0x4a: {  	_ =	shalt  }
0x4b: {  	_ =	shalt  }
0x4c: {  	_ =	shalt  }
0x4d: {  	_ =	shalt  }
0x4e: {  	_ =	shalt  }
0x4f: {  	_ =	shalt  }
0x50: {  	_ =	shalt  }
0x51: {  	_ =	shalt  }
0x52: {  	_ =	shalt  }
0x53: {  	_ =	shalt  }
0x54: {  	_ =	shalt  }
0x55: {  	_ =	shalt  }
0x56: {  	_ =	shalt  }
0x57: {  	_ =	shalt  }
0x58: {  	_ =	shalt  }
0x59: {  	_ =	shalt  }
0x5a: {  	_ =	shalt  }
0x5b: {  	_ =	shalt  }
0x5c: {  	_ =	shalt  }
0x5d: {  	_ =	shalt  }
0x5e: {  	_ =	shalt  }
0x5f: {  	_ =	shalt  }
0x60: {  	_ =	shalt  }
0x61: {  	_ =	shalt  }
0x62: {  	_ =	shalt  }
0x63: {  	_ =	shalt  }
0x64: {  	_ =	shalt  }
0x65: {  	_ =	shalt  }
0x66: {  	_ =	shalt  }
0x67: {  	_ =	shalt  }
0x68: {  	_ =	shalt  }
0x69: {  	_ =	shalt  }
0x6a: {  	_ =	shalt  }
0x6b: {  	_ =	shalt  }
0x6c: {  	_ =	shalt  }
0x6d: {  	_ =	shalt  }
0x6e: {  	_ =	shalt  }
0x6f: {  	_ =	shalt  }
0x70: {  	_ =	shalt  }
0x71: {  	_ =	shalt  }
0x72: {  	_ =	shalt  }
0x73: {  	_ =	shalt  }
0x74: {  	_ =	shalt  }
0x75: {  	_ =	shalt  }
0x76: {  	_ =	shalt  }
0x77: {  	_ =	shalt  }
0x78: {  	_ =	shalt  }
0x79: {  	_ =	shalt  }
0x7a: {  	_ =	shalt  }
0x7b: {  	_ =	shalt  }
0x7c: {  	_ =	shalt  }
0x7d: {  	_ =	shalt  }
0x7e: {  	_ =	shalt  }
0x7f: {  	_ =	shalt  }
0x80: {  	_ =	shalt  }
0x81: {  	_ =	shalt  }
0x82: {  	_ =	shalt  }
0x83: {  	_ =	shalt  }
0x84: {  	_ =	shalt  }
0x85: {  	_ =	shalt  }
0x86: {  	_ =	shalt  }
0x87: {  	_ =	shalt  }
.Lfunc_end0:
.L_simem_size_0:
called_computation.1_lowered:
.L_overlay_start_0:
0x88: {  	s2 =	sld [smem:$0x3FD9]  }
0x89: {  	s3 =	sld [smem:$0x3FFE];
	_ =	sdelay $0x1  }
0x8a: {  	s1 =	srdreg.scid  }
0x8b: {  	s0 =	sand.u32 $0x1, s1  }
0x8c: {  	s14 =	sshll.u32 s0, $0xA;
	s2 =	sadd.s32 s3, s2  }
0x8d: {  	s2 =	sadd.s32 s2, s14  }
0x8e: {  	[smem:$0x3FC5] =	sst s2  }
0x8f: {  	_ = 	snop  }
0x90: {  	s2 =	sld [smem:$0x3FD0];
	_ =	sdelay $0x2  }
0x91: {  	s4 =	simm.s32 $0xA;
	s5 =	simm.s32 $0x10;
	s15 =	sld [smem:$0x3FC7]  }
0x92: {  	[smem:s5], [sflag:s4] =	dma.local [hbm:s2], $0x1  }
0x93: {  	_ =	swait.eq [sflag:s4], $0x1  }
0x94: {  	s16 =	sld [smem:$0x10]  }
0x95: {  	s17 =	sld [smem:$0x11];
	[sflag:s4] =	ssyncset.done $0x0  }
0x96: {  	s6 =	sld [smem:$0x12];
	[sflag:s4] =	ssyncadd.s32 $0xFFFFFFFF  }
0x97: {  	s18 =	sld [smem:$0x13];
	(tm) =	ssettm $0x1  }
0x98: {  	s7 =	sld [smem:$0x3FFB];
	_ =	sdelay $0x3  }
0x99: {  	_ =	strace s7  }
0x9a: {  	s7 =	sld [smem:$0x3FFC];
	_ =	sdelay $0x3  }
0x9b: {  	_ =	strace s7  }
0x9c: {  	s7 =	sld [smem:$0x3FFD];
	_ =	sdelay $0x3  }
0x9d: {  	_ =	strace s7  }
0x9e: {  	_ =	strace $0x8FFFFFFF  }
0x9f: {  	s19 =	sld [smem:$0x3FDB];
	_ =	sdelay $0x1  }
0xa0: {  	s8 =	simm.s32 $_scs_section_size  }
0xa1: {  	s9 =	simm.s32 $_size__tile_overlayer_lowered;
	s10 =	simm.s32 $_tile_overlayer_lowered  }
0xa2: {  	s22 =	simm.s32 $0x1BFF;
	s21 =	sshll.u32 s10, $0x1;
	s7 =	sadd.s32 s8, s19  }
0xa3: {  	s11 =	simm.s32 $0x0;
	s20 =	sshll.u32 s9, $0x1;
	s9 =	sadd.s32 s21, s7  }
0xa4: {  	[timem:s11], [sflag:s22] =	dma.local [hbm:s9], s20  }
0xa5: {  	_ =	swait.ge [sflag:s22], s20  }
0xa6: {  	s8 =	ssub.s32 $0x0, s20;
	[sflag:s22] =	ssyncset.done $0x0  }
0xa7: {  	[sflag:s22] =	ssyncadd.s32 s8;
	_ =	sdelay $0x1  }
0xa8: {  	s23 =	simm.s32 $0x1B8B  }
0xa9: {  	_ =	swait.ge [sflag:s23], $0x1  }
0xaa: {  	[sflag:s23] =	ssyncset.done $0x0  }
0xab: {  	s25 =	simm.s32 $0x1B8E;
	s24 =	sld [smem:$0x3FFE];
	[sflag:s23] =	ssyncadd.s32 $0xFFFFFFFF  }
0xac: {  	s26 =	simm.s32 $execute0_lowered;
	[smem:$0x3FD2] =	sst s25  }
0xad: {  	s9 =	sshll.u32 s26, $0x1;
	_ =	strace $0x80000049;
	[dreg:$0x1] =	wrdreg $0xFFFFFFFF  }
0xae: {  	s28 =	simm.s32 $_size_execute0_lowered;
	s7 =	sadd.s32 s7, s9;
	[dreg:$0x0] =	wrdreg $0x0  }
0xaf: {  	s9 =	sshll.u32 s28, $0x1;
	[dreg:$0x2] =	wrdreg s7  }
0xb0: {  	[dreg:$0x3] =	wrdreg s9  }
0xb1: {  	[dreg:$0x4] =	wrdreg $0xC0  }
0xb2: {  	_ =	task [dreg:s11], $0x5FFFF  }
0xb3: {  	[dreg:$0x1] =	wrdreg $0xFFFFFFFF  }
0xb4: {  	[dreg:$0x0] =	wrdreg $0x60  }
0xb5: {  	[dreg:$0x2] =	wrdreg s15  }
0xb6: {  	[dreg:$0x3] =	wrdreg s16  }
0xb7: {  	[dreg:$0x4] =	wrdreg s24  }
0xb8: {  	[dreg:$0x5] =	wrdreg s17  }
0xb9: {  	[dreg:$0x6] =	wrdreg s6  }
0xba: {  	[dreg:$0x7] =	wrdreg s18  }
0xbb: {  	[dreg:$0x8] =	wrdreg $0x9  }
0xbc: {  	_ =	task.clear_ibuf [dreg:s11], $0x9FFFF;
	_ =	strace $0x90000049  }
0xbd: {  	s29 =	simm.s32 $0x9;
	_ =	strace $0x8000004B  }
0xbe: {  	_ =	swait.ge [sflag:s29], $0x1  }
0xbf: {  	[sflag:s29] =	ssyncadd.s32 $0xFFFFFFFF  }
0xc0: {  	_ =	strace $0x9000004B  }
0xc1: {  	_ =	sfence  }
0xc2: {  	s30 =	sld [smem:$0x0];
	_ =	sdelay $0x2  }
0xc3: {  	s31 =	sshll.u32 s1, $0xD;
	s1 =	sshrl.u32 s1, $0x2  }
0xc4: {  	s3 =	sand.u32 $0x4000, s31;
	s1 =	sadd.s32 s1, s30  }
0xc5: {  	s0 =	sor.u32 s3, s0;
	s1 =	sshll.u32 s1, $0x11  }
0xc6: {  	s0 =	sor.u32 s1, s0  }
0xc7: {  	s0 =	sadd.s32 $0x8F2B, s0  }
0xc8: {  	[sflag:s0] =	ssyncadd.remote.s32 $0x1  }
0xc9: {  	_ =	sfence.sel $0xFFFF  }
0xca: {  	[dreg:$0x0] =	wrdreg $0xFFFFFFFF;
	(pc) =	sbr.abs _section_cstart, $3  }
0xcb: {  	[dreg:$0x1] =	wrdreg $0xFFFFFFFF  }
0xcc: {  	_ =	task.clear_ibuf [dreg:s11], $0x2FFFF;
	_ =	strace $0x9FFFFFFF  }
0xcd: {  	(tm) =	ssettm $0x7FFFFFFF  }
tec
execute0_lowered:
.L_overlay_start_1:
0x0: {  	(tag) =	ssettag $0x1  }
0x1: {  	s1 =	rddreg [dreg:$0x0]  }
0x2: {  	s4 =	rddreg [dreg:$0x1]  }
0x3: {  	s10 =	rddreg [dreg:$0x2]  }
0x4: {  	s9 =	rddreg [dreg:$0x3]  }
0x5: {  	s2 =	srdreg.scid;
	s0 =	stileid.u32  }
0x6: {  	s11 =	rddreg [dreg:$0x4];
	s13 =	sand.u32 $0x1, s2;
	s28 =	sshll.u32 s0, $0x1  }
0x7: {  	s14 =	rddreg [dreg:$0x5];
	s12 =	sor.u32 s13, s28  }
0x8: {  	s3 =	simm.s32 $0x0;
	s2 =	rddreg [dreg:$0x6];
	s15 =	smul.u32 $0x24, s12  }
0x9: {  	[smem:$0x7FF] =	sst s3  }
0xa: {  	_ =	strace $0x8000004A;
	s5 =	sadd.s32 s4, s15;
	s4 =	simm.s32 $0x2  }
0xb: {  	[tilespmem:s3], [sflag:$0x2] =	stream.linear.gather [hbm4b:s5+s3], $0x120, $0x38;
	[tilespmem:$0x9180] =	vst v63  }
0xc: {  	_ =	swait.ge [sflag:s4], $0x120  }
0xd: {  	s6 =	simm.s32 $0x120;
	[sflag:s4] =	ssyncset.done $0x0  }
0xe: {  	s7 =	simm.s32 $0x180;
	s8 =	simm.s32 $0x1;
	[sflag:s4] =	ssyncadd.s32 $0xFFFFFEE0  }
0xf: {  	[tilespmem:s7], [sflag:$0x1] =	stream.indirect.gather [hbm4b:s1+s6], $0x80, s3, s6, $0xb8;
	[tilespmem:$0x9180] =	vst v63  }
0x10: {  	s16 =	smul.u32 $0x1200, s12;
	_ =	swait.ge [sflag:s8], $0x9000  }
0x11: {  	[sflag:s8] =	ssyncset.done $0x0  }
0x12: {  	s9 =	sadd.s32 s9, s16;
	[sflag:s8] =	ssyncadd.s32 $0xFFFF7000  }
0x13: {  	[hbm4b:s9+s3] =	stream.linear.scatter [tilespmem:s7], [sflag:$0x2], $0x9000, $0x38;
	[tilespmem:$0x9180] =	vst v63  }
0x14: {  	_ =	swait.ge [sflag:s4], $0x9000  }
0x15: {  	s29 =	sadd.s32 s15, s10;
	[sflag:s4] =	ssyncset.done $0x0  }
0x16: {  	s10 =	sadd.s32 $0xE00, s29;
	[sflag:s4] =	ssyncadd.s32 $0xFFFF7000  }
0x17: {  	[tilespmem:s3], [sflag:$0x2] =	stream.linear.gather [hbm4b:s10+s3], $0x120, $0x38;
	[tilespmem:$0x9180] =	vst v63  }
0x18: {  	_ =	swait.ge [sflag:s4], $0x120  }
0x19: {  	[sflag:s4] =	ssyncset.done $0x0  }
0x1a: {  	[sflag:s4] =	ssyncadd.s32 $0xFFFFFEE0  }
0x1b: {  	[tilespmem:s7], [sflag:$0x1] =	stream.indirect.gather [hbm4b:s1+s6], $0x80, s3, s6, $0xb8;
	[tilespmem:$0x9180] =	vst v63  }
0x1c: {  	_ =	swait.ge [sflag:s8], $0x9000  }
0x1d: {  	[sflag:s8] =	ssyncset.done $0x0  }
0x1e: {  	s11 =	sadd.s32 s11, s16;
	[sflag:s8] =	ssyncadd.s32 $0xFFFF7000  }
0x1f: {  	[hbm4b:s11+s3] =	stream.linear.scatter [tilespmem:s7], [sflag:$0x2], $0x9000, $0x38;
	[tilespmem:$0x9180] =	vst v63  }
0x20: {  	_ =	swait.ge [sflag:s4], $0x9000  }
0x21: {  	[sflag:s4] =	ssyncset.done $0x0  }
0x22: {  	s13 =	ssub.s32 $0x2, s13;
	s12 =	sadd.s32 $0x144E00, s29;
	[sflag:s4] =	ssyncadd.s32 $0xFFFF7000  }
0x23: {  	[tilespmem:s3], [sflag:$0x2] =	stream.linear.gather [hbm4b:s12+s3], $0x120, $0x38;
	[tilespmem:$0x9180] =	vst v63  }
0x24: {  	s30 =	sshrl.u32 s13, $0x1;
	_ =	swait.ge [sflag:s4], $0x120  }
0x25: {  	s15 =	ssub.s32 s13, s30;
	[sflag:s4] =	ssyncset.done $0x0  }
0x26: {  	s31 =	smax.u32 s15, $0x1;
	[sflag:s4] =	ssyncadd.s32 $0xFFFFFEE0  }
0x27: {  	[tilespmem:s7], [sflag:$0x1] =	stream.indirect.gather [hbm4b:s1+s6], $0x80, s3, s6, $0xb8;
	[tilespmem:$0x9180] =	vst v63  }
0x28: {  	p0 =	sne.s32 s31, $0x1;
	_ =	swait.ge [sflag:s8], $0x9000  }
.Ltmp0:
0x29: {  	[sflag:s8] =	ssyncset.done $0x0;
	(pc) =	sbr.rel @!p0 .LBB2_2-.Ltmp0, $4  }
0x2a: {  	s13 =	sadd.s32 s14, s16;
	[sflag:s8] =	ssyncadd.s32 $0xFFFF7000  }
0x2b: {  	[hbm4b:s13+s3] =	stream.linear.scatter [tilespmem:s7], [sflag:$0x2], $0x9000, $0x38;
	[tilespmem:$0x9180] =	vst v63  }
0x2c: {  	_ =	swait.ge [sflag:s4], $0x9000  }
0x2d: {  	s14 =	sadd.s32 $0xFFFFFFFF, s31;
	[sflag:s4] =	ssyncset.done $0x0  }
.LBB2_1:
0x2e: {  	p0 =	sne.s32 s14, $0x1;
	s14 =	sadd.s32 $0xFFFFFFFF, s14;
	[sflag:s4] =	ssyncadd.s32 $0xFFFF7000  }
0x2f: {  	[tilespmem:s3], [sflag:$0x2] =	stream.linear.gather [hbm4b:s5+s3], $0x120, $0x38;
	[tilespmem:$0x9180] =	vst v63  }
0x30: {  	_ =	swait.ge [sflag:s4], $0x120  }
0x31: {  	[sflag:s4] =	ssyncset.done $0x0  }
0x32: {  	[sflag:s4] =	ssyncadd.s32 $0xFFFFFEE0  }
0x33: {  	[tilespmem:s7], [sflag:$0x1] =	stream.indirect.gather [hbm4b:s1+s6], $0x80, s3, s6, $0xb8;
	[tilespmem:$0x9180] =	vst v63  }
0x34: {  	_ =	swait.ge [sflag:s8], $0x9000  }
0x35: {  	[sflag:s8] =	ssyncset.done $0x0  }
0x36: {  	[sflag:s8] =	ssyncadd.s32 $0xFFFF7000  }
0x37: {  	[hbm4b:s9+s3] =	stream.linear.scatter [tilespmem:s7], [sflag:$0x2], $0x9000, $0x38;
	[tilespmem:$0x9180] =	vst v63  }
0x38: {  	_ =	swait.ge [sflag:s4], $0x9000  }
0x39: {  	[sflag:s4] =	ssyncset.done $0x0  }
0x3a: {  	[sflag:s4] =	ssyncadd.s32 $0xFFFF7000  }
0x3b: {  	[tilespmem:s3], [sflag:$0x2] =	stream.linear.gather [hbm4b:s10+s3], $0x120, $0x38;
	[tilespmem:$0x9180] =	vst v63  }
0x3c: {  	_ =	swait.ge [sflag:s4], $0x120  }
0x3d: {  	[sflag:s4] =	ssyncset.done $0x0  }
0x3e: {  	[sflag:s4] =	ssyncadd.s32 $0xFFFFFEE0  }
0x3f: {  	[tilespmem:s7], [sflag:$0x1] =	stream.indirect.gather [hbm4b:s1+s6], $0x80, s3, s6, $0xb8;
	[tilespmem:$0x9180] =	vst v63  }
0x40: {  	_ =	swait.ge [sflag:s8], $0x9000  }
0x41: {  	[sflag:s8] =	ssyncset.done $0x0  }
0x42: {  	[sflag:s8] =	ssyncadd.s32 $0xFFFF7000  }
0x43: {  	[hbm4b:s11+s3] =	stream.linear.scatter [tilespmem:s7], [sflag:$0x2], $0x9000, $0x38;
	[tilespmem:$0x9180] =	vst v63  }
0x44: {  	_ =	swait.ge [sflag:s4], $0x9000  }
0x45: {  	[sflag:s4] =	ssyncset.done $0x0  }
0x46: {  	[sflag:s4] =	ssyncadd.s32 $0xFFFF7000  }
0x47: {  	[tilespmem:s3], [sflag:$0x2] =	stream.linear.gather [hbm4b:s12+s3], $0x120, $0x38;
	[tilespmem:$0x9180] =	vst v63  }
0x48: {  	_ =	swait.ge [sflag:s4], $0x120  }
0x49: {  	[sflag:s4] =	ssyncset.done $0x0  }
0x4a: {  	[sflag:s4] =	ssyncadd.s32 $0xFFFFFEE0  }
0x4b: {  	[tilespmem:s7], [sflag:$0x1] =	stream.indirect.gather [hbm4b:s1+s6], $0x80, s3, s6, $0xb8;
	[tilespmem:$0x9180] =	vst v63  }
0x4c: {  	_ =	swait.ge [sflag:s8], $0x9000  }
.Ltmp1:
0x4d: {  	[sflag:s8] =	ssyncset.done $0x0;
	(pc) =	sbr.rel @p0 .LBB2_1-.Ltmp1, $4  }
0x4e: {  	[sflag:s8] =	ssyncadd.s32 $0xFFFF7000  }
0x4f: {  	[hbm4b:s13+s3] =	stream.linear.scatter [tilespmem:s7], [sflag:$0x2], $0x9000, $0x38;
	[tilespmem:$0x9180] =	vst v63  }
0x50: {  	_ =	swait.ge [sflag:s4], $0x9000  }
0x51: {  	[sflag:s4] =	ssyncset.done $0x0  }
.LBB2_2:
0x52: {  	[sflag:s4] =	ssyncadd.s32 $0xFFFF7000  }
0x53: {  	_ =	sfence.sel $0x180000  }
0x54: {  	[bflag:$0x0] =	sbarrier.arrive $0xFFFF  }
0x55: {  	p0 =	sne.s32 s0, $0x0;
	_ =	strace $0x9000004A  }
0x56: {  	s0 =	sadd.s32 @!p0 $0x100000, s2;
	[bflag:$0x2] =	sbarrier.arrive $0xFFFF  }
0x57: {  	[sflag:s0] =	ssyncadd.tile.s32 @!p0 $0x1;
	_ =	shalt  }
.Lfunc_end2:
_tile_overlayer_lowered:
.L_overlay_start_2:
0x58: {  	(tag) =	ssettag $0x2  }
0x59: {  	s0 =	rddreg [dreg:$0x0];
	s2 =	stileid.u32  }
0x5a: {  	s1 =	rddreg [dreg:$0x1];
	p0 =	sne.s32 s2, $0x0  }
0x5b: {  	s3 =	rddreg [dreg:$0x2];
	[bflag:$0x3] =	sbarrier.arrive $0xFFFF;
	s2 =	simm.s32 @!p0 $0x1C02  }
0x5c: {  	[timem:s3], [sflag:s2] =	dma.local @!p0 [hbm:s0], s1  }
0x5d: {  	s0 =	simm.s32 @!p0 $0x2  }
0x5e: {  	_ =	swait.ge @!p0 [sflag:s0], s1  }
0x5f: {  	s1 =	ssub.s32 @!p0 $0x0, s1;
	[sflag:s0] =	ssyncset.done @!p0 $0x0  }
0x60: {  	[sflag:s0] =	ssyncadd.s32 @!p0 s1  }
0x61: {  	[bflag:$0x3] =	sbarrier.arrive $0xFFFF  }
0x62: {  	_ =	shalt  }

</sc_bundles>
